<compile_context>
chip_gen: v7x
topology: tpu7x:2x2x1
jax: 0.10.2.dev20260603
libtpu: 0.0.44.dev20260713+nightly
codegen_flags: <defaults>
</compile_context>

<pallas_src>
import functools

import jax
import jax.numpy as jnp
from jax import lax
from jax.experimental import pallas as pl
from jax.experimental.pallas import tpu as pltpu
from jax.experimental.pallas import tpu_sc as plsc

_B = 16384
_IDX_CHUNK = 128


def _make_sc_small(n_workers):
    bw = _B // n_workers
    mesh = plsc.VectorSubcoreMesh(core_axis_name="c", subcore_axis_name="s")

    @functools.partial(
        pl.kernel,
        mesh=mesh,
        compiler_params=pltpu.CompilerParams(
            use_tc_tiling_on_sc=False, needs_layout_passes=False),
        out_type=jax.ShapeDtypeStruct((_B, 128), jnp.float32),
        scratch_types=[
            pltpu.VMEM((bw,), jnp.int32),
            pltpu.VMEM((bw,), jnp.int32),
            pltpu.VMEM((bw,), jnp.int32),
            pltpu.VMEM((1000, 32), jnp.float32),
            pltpu.VMEM((8, 16), jnp.float32),
            pltpu.VMEM((48, 16), jnp.float32),
            pltpu.VMEM((bw, 32), jnp.float32),
            pltpu.VMEM((bw, 16), jnp.float32),
            pltpu.VMEM((bw, 16), jnp.float32),
            pltpu.SemaphoreType.DMA,
            pltpu.SemaphoreType.DMA,
        ],
    )
    def small_k(ntab, ptab, ttab, ids, rest_out,
                niv, piv, tiv, ntab_v, ptab_v, ttab_v,
                nrow, prow, trow, tsem, wsem):
        wid = lax.axis_index("s") * 2 + lax.axis_index("c")
        base = wid * bw
        tabs = [
            pltpu.async_copy(ntab, ntab_v, tsem),
            pltpu.async_copy(ptab, ptab_v, tsem),
            pltpu.async_copy(ttab, ttab_v, tsem),
        ]
        pltpu.sync_copy(ids.at[pl.ds(_B + base, bw)], niv)
        pltpu.sync_copy(ids.at[pl.ds(2 * _B + base, bw)], piv)
        pltpu.sync_copy(ids.at[pl.ds(3 * _B + base, bw)], tiv)
        for t in tabs:
            t.wait()

        def group_body(g, carry):
            rows = g * 16
            nid = niv[pl.ds(rows, 16)]
            pid = piv[pl.ds(rows, 16)]
            tid = tiv[pl.ds(rows, 16)]
            rpos = rows + lax.iota(jnp.int32, 16)
            for c in range(32):
                cvec = jnp.full((16,), c, jnp.int32)
                plsc.store_scatter(nrow, [rpos, cvec],
                                   plsc.load_gather(ntab_v, [nid, cvec]))
            for c in range(16):
                cvec = jnp.full((16,), c, jnp.int32)
                plsc.store_scatter(prow, [rpos, cvec],
                                   plsc.load_gather(ptab_v, [pid, cvec]))
                plsc.store_scatter(trow, [rpos, cvec],
                                   plsc.load_gather(ttab_v, [tid, cvec]))
            return carry

        lax.fori_loop(0, bw // 16, group_body, 0)

        out_rows = pl.ds(base, bw)
        writes = [
            pltpu.async_copy(nrow, rest_out.at[out_rows, pl.ds(0, 32)], wsem),
            pltpu.async_copy(prow, rest_out.at[out_rows, pl.ds(32, 16)], wsem),
            pltpu.async_copy(trow, rest_out.at[out_rows, pl.ds(48, 16)], wsem),
        ]
        for w in writes:
            w.wait()

    return small_k


def _make_sc_city(n_workers):
    bw = _B // n_workers
    nchunk = bw // _IDX_CHUNK
    mesh = plsc.VectorSubcoreMesh(core_axis_name="c", subcore_axis_name="s")

    @functools.partial(
        pl.kernel,
        mesh=mesh,
        compiler_params=pltpu.CompilerParams(
            use_tc_tiling_on_sc=False, needs_layout_passes=False),
        out_type=jax.ShapeDtypeStruct((_B, 128), jnp.float32),
        scratch_types=[
            pltpu.VMEM((bw,), jnp.int32),
            pltpu.VMEM((bw, 64), jnp.float32),
            pltpu.SemaphoreType.DMA,
            pltpu.SemaphoreType.DMA,
        ],
    )
    def city_k(ctab, ids, city_out, civ, crow, sem, wsem):
        wid = lax.axis_index("s") * 2 + lax.axis_index("c")
        base = wid * bw
        pltpu.sync_copy(ids.at[pl.ds(base, bw)], civ)
        copies = []
        for j in range(nchunk):
            rows = pl.ds(j * _IDX_CHUNK, _IDX_CHUNK)
            copies.append(pltpu.async_copy(
                ctab.at[civ.at[rows]], crow.at[rows], sem))
        for c in copies:
            c.wait()
        pltpu.async_copy(
            crow, city_out.at[pl.ds(base, bw), pl.ds(0, 64)], wsem).wait()

    return city_k


def _mlp_body(city_ref, rest_ref, x_ref,
              w1c_ref, w1r_ref, w1x_ref, b1_ref, g1_ref, be1_ref,
              w2_ref, b2_ref, g2_ref, be2_ref, out_ref):
    h = jnp.dot(city_ref[:, 0:64], w1c_ref[...],
                preferred_element_type=jnp.float32)
    h = h + jnp.dot(rest_ref[:, 0:64], w1r_ref[...],
                    preferred_element_type=jnp.float32)
    h = h + jnp.dot(x_ref[...], w1x_ref[...],
                    preferred_element_type=jnp.float32)
    h = h + b1_ref[...]
    mu = jnp.mean(h, axis=-1, keepdims=True)
    var = jnp.mean((h - mu) * (h - mu), axis=-1, keepdims=True)
    h = (h - mu) * lax.rsqrt(var + 1e-5) * g1_ref[...] + be1_ref[...]
    h = jnp.maximum(h, 0.0)
    o = jnp.dot(h, w2_ref[...], preferred_element_type=jnp.float32)
    o = o + b2_ref[...]
    mu2 = jnp.mean(o, axis=-1, keepdims=True)
    var2 = jnp.mean((o - mu2) * (o - mu2), axis=-1, keepdims=True)
    out_ref[...] = (o - mu2) * lax.rsqrt(var2 + 1e-5) * g2_ref[...] + be2_ref[...]


def kernel(x, city_table, neigh_table, price_table, time_table,
           W1, b1, g1, be1, W2, b2, g2, be2):
    f32 = jnp.float32
    ids = jnp.concatenate([
        x[:, 0].astype(jnp.int32),
        x[:, 1].astype(jnp.int32),
        x[:, 108].astype(jnp.int32),
        x[:, 109].astype(jnp.int32),
    ])

    price_pad = jnp.pad(price_table, ((0, 0), (0, 8)))

    info = plsc.get_sparse_core_info()
    n_workers = info.num_cores * info.num_subcores

    rest = _make_sc_small(n_workers)(neigh_table, price_pad, time_table, ids)
    cityp = _make_sc_city(n_workers)(city_table, ids)

    z = lambda n: jnp.zeros((n, W1.shape[1]), f32)
    w1c = W1[0:64]
    w1r = jnp.concatenate(
        [W1[64:96], W1[96:104], z(8), W1[104:120]], axis=0)
    w1x = jnp.concatenate(
        [z(2), W1[120:226], z(2), W1[226:230]], axis=0)

    rb = 2048
    grid = (_B // rb,)
    full = lambda i: (0, 0)
    row = lambda i: (i, 0)
    out = pl.pallas_call(
        _mlp_body,
        grid=grid,
        in_specs=[
            pl.BlockSpec((rb, 128), row),
            pl.BlockSpec((rb, 128), row),
            pl.BlockSpec((rb, 114), row),
            pl.BlockSpec((64, 256), full),
            pl.BlockSpec((64, 256), full),
            pl.BlockSpec((114, 256), full),
            pl.BlockSpec((1, 256), full),
            pl.BlockSpec((1, 256), full),
            pl.BlockSpec((1, 256), full),
            pl.BlockSpec((256, 128), full),
            pl.BlockSpec((1, 128), full),
            pl.BlockSpec((1, 128), full),
            pl.BlockSpec((1, 128), full),
        ],
        out_specs=pl.BlockSpec((rb, 128), row),
        out_shape=jax.ShapeDtypeStruct((_B, 128), f32),
        compiler_params=pltpu.CompilerParams(
            dimension_semantics=("arbitrary",)),
    )(cityp, rest, x,
      w1c, w1r, w1x, b1.reshape(1, -1), g1.reshape(1, -1), be1.reshape(1, -1),
      W2, b2.reshape(1, -1), g2.reshape(1, -1), be2.reshape(1, -1))
    return out

# --- scband reference (transcript-rebuilt; emitter-appended) ---
"""Pipeline reference for scband-place-encoder-7902739825243 (READ-ONLY COPY).

The authoritative reference and input builder live on the scoring server;
editing this copy changes nothing except your own understanding.
"""

import jax, jax.numpy as jnp
import numpy as np

N_CITIES = 100000
N_NEIGH = 1000
N_PRICE = 8
N_TIME = 48
D_CITY, D_NEIGH, D_PRICE, D_TIME = 64, 32, 8, 16
D_MODEL = 128
CONT = 6 + 100 + 4
MLP_IN = D_CITY + D_NEIGH + D_PRICE + D_TIME + CONT  # 230
H = D_MODEL * 2
B = 16384


def _layernorm(v, g, b, eps=1e-5):
    mu = jnp.mean(v, axis=-1, keepdims=True)
    var = jnp.var(v, axis=-1, keepdims=True)
    return (v - mu) / jnp.sqrt(var + eps) * g + b


def setup_inputs(seed: int = 0) -> dict:
    key = jax.random.key(seed)
    ks = jax.random.split(key, 16)
    x = jax.random.uniform(ks[0], (B, 114), dtype=jnp.float32)
    city = jax.random.randint(ks[1], (B,), 0, N_CITIES).astype(jnp.float32)
    neigh = jax.random.randint(ks[2], (B,), 0, N_NEIGH).astype(jnp.float32)
    price = jax.random.randint(ks[3], (B,), 0, N_PRICE).astype(jnp.float32)
    tslot = jax.random.randint(ks[4], (B,), 0, N_TIME).astype(jnp.float32)
    x = x.at[:, 0].set(city).at[:, 1].set(neigh).at[:, 108].set(price).at[:, 109].set(tslot)
    city_table = jax.random.normal(ks[5], (N_CITIES, D_CITY), dtype=jnp.float32) * 0.02
    neigh_table = jax.random.normal(ks[6], (N_NEIGH, D_NEIGH), dtype=jnp.float32) * 0.02
    price_table = jax.random.normal(ks[7], (N_PRICE, D_PRICE), dtype=jnp.float32) * 0.02
    time_table = jax.random.normal(ks[8], (N_TIME, D_TIME), dtype=jnp.float32) * 0.02
    W1 = jax.random.normal(ks[9], (MLP_IN, H), dtype=jnp.float32) * (1.0 / np.sqrt(MLP_IN))
    b1 = jnp.zeros((H,), dtype=jnp.float32)
    g1 = jnp.ones((H,), dtype=jnp.float32)
    be1 = jnp.zeros((H,), dtype=jnp.float32)
    W2 = jax.random.normal(ks[10], (H, D_MODEL), dtype=jnp.float32) * (1.0 / np.sqrt(H))
    b2 = jnp.zeros((D_MODEL,), dtype=jnp.float32)
    g2 = jnp.ones((D_MODEL,), dtype=jnp.float32)
    be2 = jnp.zeros((D_MODEL,), dtype=jnp.float32)
    return {"x": x, "city_table": city_table, "neigh_table": neigh_table,
            "price_table": price_table, "time_table": time_table,
            "W1": W1, "b1": b1, "g1": g1, "be1": be1,
            "W2": W2, "b2": b2, "g2": g2, "be2": be2}


def reference(x, city_table, neigh_table, price_table, time_table,
              W1, b1, g1, be1, W2, b2, g2, be2):
    city_ids = x[:, 0].astype(jnp.int32)
    neigh_ids = x[:, 1].astype(jnp.int32)
    price_ids = x[:, 108].astype(jnp.int32)
    time_ids = x[:, 109].astype(jnp.int32)
    city_emb = jnp.take(city_table, city_ids, axis=0)
    neigh_emb = jnp.take(neigh_table, neigh_ids, axis=0)
    price_emb = jnp.take(price_table, price_ids, axis=0)
    time_emb = jnp.take(time_table, time_ids, axis=0)
    continuous = jnp.concatenate([x[:, 2:8], x[:, 8:108], x[:, 110:114]], axis=1)
    combined = jnp.concatenate([city_emb, neigh_emb, price_emb, time_emb, continuous], axis=1)
    h = combined @ W1 + b1
    h = _layernorm(h, g1, be1)
    h = jax.nn.relu(h)
    out = h @ W2 + b2
    out = _layernorm(out, g2, be2)
    return out

if __name__ == "__main__":
    import jax
    _d = setup_inputs()
    print(jax.jit(kernel)(*tuple(_d.values())))

</pallas_src>

<mosaic_0001>
#map = affine_map<(d0, d1) -> (0, 0)>
#map1 = affine_map<(d0, d1) -> (0)>
module attributes {stable_mosaic.version = 14 : i64} {
  func.func @city_k(%arg0: i32, %arg1: i32, %arg2: memref<100000x64xf32, #tpu.memory_space<hbm>>, %arg3: memref<65536xi32, #tpu.memory_space<hbm>>, %arg4: memref<16384x128xf32, #tpu.memory_space<hbm>>, %arg5: memref<512xi32, #tpu.memory_space<vmem>>, %arg6: memref<512x64xf32, #tpu.memory_space<vmem>>, %arg7: memref<!tpu.dma_semaphore, #tpu.memory_space<semaphore_mem>>, %arg8: memref<!tpu.dma_semaphore, #tpu.memory_space<semaphore_mem>>) attributes {dimension_semantics = [#tpu.dimension_semantics<core_parallel>, #tpu.dimension_semantics<subcore_parallel>], iteration_bounds = array<i64: 2, 16>, scalar_prefetch = 0 : i64, scratch_operands = 4 : i64, tpu.core_type = #tpu.core_type<sc_vector_subcore>, window_params = [{transform_indices = #map}, {transform_indices = #map1}, {transform_indices = #map}]} {
    %mul3A = arith.constant 2 : i32
    %mul3A_0 = arith.muli %arg1, %mul3A : i32
    %add3A = arith.addi %mul3A_0, %arg0 : i32
    %mul3A_1 = arith.constant 512 : i32
    %mul3A_2 = arith.muli %add3A, %mul3A_1 : i32
    "tpu.region"() ({
      %run_scoped3A = tpu.sem_alloc : memref<!tpu.dma_semaphore, #tpu.memory_space<semaphore_mem>>
      %dma_start3A_73 = tpu.memref_slice %arg3[%mul3A_2] : memref<65536xi32, #tpu.memory_space<hbm>> -> memref<512xi32, #tpu.memory_space<hbm>>
      %dma_start3A_74 = tpu.memref_slice %arg3[%mul3A_2] : memref<65536xi32, #tpu.memory_space<hbm>> -> memref<512xi32, #tpu.memory_space<hbm>>
      tpu.enqueue_dma source(%dma_start3A_74 : memref<512xi32, #tpu.memory_space<hbm>>) target(%arg5 : memref<512xi32, #tpu.memory_space<vmem>>) target_semaphore(%run_scoped3A : memref<!tpu.dma_semaphore, #tpu.memory_space<semaphore_mem>>)
      %dma_wait3A_75 = tpu.memref_slice %arg3[%mul3A_2] : memref<65536xi32, #tpu.memory_space<hbm>> -> memref<512xi32, #tpu.memory_space<hbm>>
      %dma_wait3A_76 = tpu.memref_slice %arg3[%mul3A_2] : memref<65536xi32, #tpu.memory_space<hbm>> -> memref<512xi32, #tpu.memory_space<hbm>>
      tpu.wait_dma2 semaphore(%run_scoped3A : memref<!tpu.dma_semaphore, #tpu.memory_space<semaphore_mem>>) src(%dma_wait3A_76 : memref<512xi32, #tpu.memory_space<hbm>>) dst(%arg5 : memref<512xi32, #tpu.memory_space<vmem>>)
      tpu.yield
    }) : () -> ()
    %dma_start3A = arith.constant 0 : i32
    %dma_start3A_3 = arith.constant 0 : i32
    %dma_start3A_4 = tpu.memref_slice %arg6[%dma_start3A, %dma_start3A_3] : memref<512x64xf32, #tpu.memory_space<vmem>> -> memref<128x64xf32, #tpu.memory_space<vmem>>
    %dma_start3A_5 = arith.constant 0 : i32
    %dma_start3A_6 = tpu.memref_slice %arg5[%dma_start3A_5] : memref<512xi32, #tpu.memory_space<vmem>> -> memref<128xi32, #tpu.memory_space<vmem>>
    %dma_start3A_7 = arith.constant 0 : i32
    %dma_start3A_8 = arith.constant 0 : i32
    %dma_start3A_9 = tpu.memref_slice %arg2[%dma_start3A_7, %dma_start3A_8] : memref<100000x64xf32, #tpu.memory_space<hbm>> -> memref<100000x64xf32, #tpu.memory_space<hbm>>
    tpu.enqueue_indirect_dma source(%dma_start3A_9 : memref<100000x64xf32, #tpu.memory_space<hbm>>) target(%dma_start3A_4 : memref<128x64xf32, #tpu.memory_space<vmem>>) offsets(%dma_start3A_6 : memref<128xi32, #tpu.memory_space<vmem>>) semaphore(%arg7 : memref<!tpu.dma_semaphore, #tpu.memory_space<semaphore_mem>>)
    %dma_start3A_10 = arith.constant 128 : i32
    %dma_start3A_11 = arith.constant 0 : i32
    %dma_start3A_12 = tpu.memref_slice %arg6[%dma_start3A_10, %dma_start3A_11] : memref<512x64xf32, #tpu.memory_space<vmem>> -> memref<128x64xf32, #tpu.memory_space<vmem>>
    %dma_start3A_13 = arith.constant 128 : i32
    %dma_start3A_14 = tpu.memref_slice %arg5[%dma_start3A_13] : memref<512xi32, #tpu.memory_space<vmem>> -> memref<128xi32, #tpu.memory_space<vmem>>
    %dma_start3A_15 = arith.constant 0 : i32
    %dma_start3A_16 = arith.constant 0 : i32
    %dma_start3A_17 = tpu.memref_slice %arg2[%dma_start3A_15, %dma_start3A_16] : memref<100000x64xf32, #tpu.memory_space<hbm>> -> memref<100000x64xf32, #tpu.memory_space<hbm>>
    tpu.enqueue_indirect_dma source(%dma_start3A_17 : memref<100000x64xf32, #tpu.memory_space<hbm>>) target(%dma_start3A_12 : memref<128x64xf32, #tpu.memory_space<vmem>>) offsets(%dma_start3A_14 : memref<128xi32, #tpu.memory_space<vmem>>) semaphore(%arg7 : memref<!tpu.dma_semaphore, #tpu.memory_space<semaphore_mem>>)
    %dma_start3A_18 = arith.constant 256 : i32
    %dma_start3A_19 = arith.constant 0 : i32
    %dma_start3A_20 = tpu.memref_slice %arg6[%dma_start3A_18, %dma_start3A_19] : memref<512x64xf32, #tpu.memory_space<vmem>> -> memref<128x64xf32, #tpu.memory_space<vmem>>
    %dma_start3A_21 = arith.constant 256 : i32
    %dma_start3A_22 = tpu.memref_slice %arg5[%dma_start3A_21] : memref<512xi32, #tpu.memory_space<vmem>> -> memref<128xi32, #tpu.memory_space<vmem>>
    %dma_start3A_23 = arith.constant 0 : i32
    %dma_start3A_24 = arith.constant 0 : i32
    %dma_start3A_25 = tpu.memref_slice %arg2[%dma_start3A_23, %dma_start3A_24] : memref<100000x64xf32, #tpu.memory_space<hbm>> -> memref<100000x64xf32, #tpu.memory_space<hbm>>
    tpu.enqueue_indirect_dma source(%dma_start3A_25 : memref<100000x64xf32, #tpu.memory_space<hbm>>) target(%dma_start3A_20 : memref<128x64xf32, #tpu.memory_space<vmem>>) offsets(%dma_start3A_22 : memref<128xi32, #tpu.memory_space<vmem>>) semaphore(%arg7 : memref<!tpu.dma_semaphore, #tpu.memory_space<semaphore_mem>>)
    %dma_start3A_26 = arith.constant 384 : i32
    %dma_start3A_27 = arith.constant 0 : i32
    %dma_start3A_28 = tpu.memref_slice %arg6[%dma_start3A_26, %dma_start3A_27] : memref<512x64xf32, #tpu.memory_space<vmem>> -> memref<128x64xf32, #tpu.memory_space<vmem>>
    %dma_start3A_29 = arith.constant 384 : i32
    %dma_start3A_30 = tpu.memref_slice %arg5[%dma_start3A_29] : memref<512xi32, #tpu.memory_space<vmem>> -> memref<128xi32, #tpu.memory_space<vmem>>
    %dma_start3A_31 = arith.constant 0 : i32
    %dma_start3A_32 = arith.constant 0 : i32
    %dma_start3A_33 = tpu.memref_slice %arg2[%dma_start3A_31, %dma_start3A_32] : memref<100000x64xf32, #tpu.memory_space<hbm>> -> memref<100000x64xf32, #tpu.memory_space<hbm>>
    tpu.enqueue_indirect_dma source(%dma_start3A_33 : memref<100000x64xf32, #tpu.memory_space<hbm>>) target(%dma_start3A_28 : memref<128x64xf32, #tpu.memory_space<vmem>>) offsets(%dma_start3A_30 : memref<128xi32, #tpu.memory_space<vmem>>) semaphore(%arg7 : memref<!tpu.dma_semaphore, #tpu.memory_space<semaphore_mem>>)
    %dma_wait3A = arith.constant 0 : i32
    %dma_wait3A_34 = arith.constant 0 : i32
    %dma_wait3A_35 = tpu.memref_slice %arg6[%dma_wait3A, %dma_wait3A_34] : memref<512x64xf32, #tpu.memory_space<vmem>> -> memref<128x64xf32, #tpu.memory_space<vmem>>
    %dma_wait3A_36 = arith.constant 0 : i32
    %dma_wait3A_37 = tpu.memref_slice %arg5[%dma_wait3A_36] : memref<512xi32, #tpu.memory_space<vmem>> -> memref<128xi32, #tpu.memory_space<vmem>>
    %dma_wait3A_38 = arith.constant 0 : i32
    %dma_wait3A_39 = arith.constant 0 : i32
    %dma_wait3A_40 = tpu.memref_slice %arg2[%dma_wait3A_38, %dma_wait3A_39] : memref<100000x64xf32, #tpu.memory_space<hbm>> -> memref<100000x64xf32, #tpu.memory_space<hbm>>
    tpu.wait_indirect_dma semaphore(%arg7 : memref<!tpu.dma_semaphore, #tpu.memory_space<semaphore_mem>>) src(%dma_wait3A_40 : memref<100000x64xf32, #tpu.memory_space<hbm>>) dst(%dma_wait3A_35 : memref<128x64xf32, #tpu.memory_space<vmem>>)
    %dma_wait3A_41 = arith.constant 128 : i32
    %dma_wait3A_42 = arith.constant 0 : i32
    %dma_wait3A_43 = tpu.memref_slice %arg6[%dma_wait3A_41, %dma_wait3A_42] : memref<512x64xf32, #tpu.memory_space<vmem>> -> memref<128x64xf32, #tpu.memory_space<vmem>>
    %dma_wait3A_44 = arith.constant 128 : i32
    %dma_wait3A_45 = tpu.memref_slice %arg5[%dma_wait3A_44] : memref<512xi32, #tpu.memory_space<vmem>> -> memref<128xi32, #tpu.memory_space<vmem>>
    %dma_wait3A_46 = arith.constant 0 : i32
    %dma_wait3A_47 = arith.constant 0 : i32
    %dma_wait3A_48 = tpu.memref_slice %arg2[%dma_wait3A_46, %dma_wait3A_47] : memref<100000x64xf32, #tpu.memory_space<hbm>> -> memref<100000x64xf32, #tpu.memory_space<hbm>>
    tpu.wait_indirect_dma semaphore(%arg7 : memref<!tpu.dma_semaphore, #tpu.memory_space<semaphore_mem>>) src(%dma_wait3A_48 : memref<100000x64xf32, #tpu.memory_space<hbm>>) dst(%dma_wait3A_43 : memref<128x64xf32, #tpu.memory_space<vmem>>)
    %dma_wait3A_49 = arith.constant 256 : i32
    %dma_wait3A_50 = arith.constant 0 : i32
    %dma_wait3A_51 = tpu.memref_slice %arg6[%dma_wait3A_49, %dma_wait3A_50] : memref<512x64xf32, #tpu.memory_space<vmem>> -> memref<128x64xf32, #tpu.memory_space<vmem>>
    %dma_wait3A_52 = arith.constant 256 : i32
    %dma_wait3A_53 = tpu.memref_slice %arg5[%dma_wait3A_52] : memref<512xi32, #tpu.memory_space<vmem>> -> memref<128xi32, #tpu.memory_space<vmem>>
    %dma_wait3A_54 = arith.constant 0 : i32
    %dma_wait3A_55 = arith.constant 0 : i32
    %dma_wait3A_56 = tpu.memref_slice %arg2[%dma_wait3A_54, %dma_wait3A_55] : memref<100000x64xf32, #tpu.memory_space<hbm>> -> memref<100000x64xf32, #tpu.memory_space<hbm>>
    tpu.wait_indirect_dma semaphore(%arg7 : memref<!tpu.dma_semaphore, #tpu.memory_space<semaphore_mem>>) src(%dma_wait3A_56 : memref<100000x64xf32, #tpu.memory_space<hbm>>) dst(%dma_wait3A_51 : memref<128x64xf32, #tpu.memory_space<vmem>>)
    %dma_wait3A_57 = arith.constant 384 : i32
    %dma_wait3A_58 = arith.constant 0 : i32
    %dma_wait3A_59 = tpu.memref_slice %arg6[%dma_wait3A_57, %dma_wait3A_58] : memref<512x64xf32, #tpu.memory_space<vmem>> -> memref<128x64xf32, #tpu.memory_space<vmem>>
    %dma_wait3A_60 = arith.constant 384 : i32
    %dma_wait3A_61 = tpu.memref_slice %arg5[%dma_wait3A_60] : memref<512xi32, #tpu.memory_space<vmem>> -> memref<128xi32, #tpu.memory_space<vmem>>
    %dma_wait3A_62 = arith.constant 0 : i32
    %dma_wait3A_63 = arith.constant 0 : i32
    %dma_wait3A_64 = tpu.memref_slice %arg2[%dma_wait3A_62, %dma_wait3A_63] : memref<100000x64xf32, #tpu.memory_space<hbm>> -> memref<100000x64xf32, #tpu.memory_space<hbm>>
    tpu.wait_indirect_dma semaphore(%arg7 : memref<!tpu.dma_semaphore, #tpu.memory_space<semaphore_mem>>) src(%dma_wait3A_64 : memref<100000x64xf32, #tpu.memory_space<hbm>>) dst(%dma_wait3A_59 : memref<128x64xf32, #tpu.memory_space<vmem>>)
    %dma_start3A_65 = arith.constant 0 : i32
    %dma_start3A_66 = tpu.memref_slice %arg4[%mul3A_2, %dma_start3A_65] : memref<16384x128xf32, #tpu.memory_space<hbm>> -> memref<512x64xf32, #tpu.memory_space<hbm>>
    %dma_start3A_67 = arith.constant 0 : i32
    %dma_start3A_68 = tpu.memref_slice %arg4[%mul3A_2, %dma_start3A_67] : memref<16384x128xf32, #tpu.memory_space<hbm>> -> memref<512x64xf32, #tpu.memory_space<hbm>>
    tpu.enqueue_dma source(%arg6 : memref<512x64xf32, #tpu.memory_space<vmem>>) target(%dma_start3A_68 : memref<512x64xf32, #tpu.memory_space<hbm>>) target_semaphore(%arg8 : memref<!tpu.dma_semaphore, #tpu.memory_space<semaphore_mem>>)
    %dma_wait3A_69 = arith.constant 0 : i32
    %dma_wait3A_70 = tpu.memref_slice %arg4[%mul3A_2, %dma_wait3A_69] : memref<16384x128xf32, #tpu.memory_space<hbm>> -> memref<512x64xf32, #tpu.memory_space<hbm>>
    %dma_wait3A_71 = arith.constant 0 : i32
    %dma_wait3A_72 = tpu.memref_slice %arg4[%mul3A_2, %dma_wait3A_71] : memref<16384x128xf32, #tpu.memory_space<hbm>> -> memref<512x64xf32, #tpu.memory_space<hbm>>
    tpu.wait_dma2 semaphore(%arg8 : memref<!tpu.dma_semaphore, #tpu.memory_space<semaphore_mem>>) src(%arg6 : memref<512x64xf32, #tpu.memory_space<vmem>>) dst(%dma_wait3A_72 : memref<512x64xf32, #tpu.memory_space<hbm>>)
    return
  }
}

#map = affine_map<(d0, d1) -> (0, 0)>
#map1 = affine_map<(d0, d1) -> (0)>
module attributes {stable_mosaic.version = 14 : i64} {
  func.func @small_k(%arg0: i32, %arg1: i32, %arg2: memref<1000x32xf32, #tpu.memory_space<hbm>>, %arg3: memref<8x16xf32, #tpu.memory_space<hbm>>, %arg4: memref<48x16xf32, #tpu.memory_space<hbm>>, %arg5: memref<65536xi32, #tpu.memory_space<hbm>>, %arg6: memref<16384x128xf32, #tpu.memory_space<hbm>>, %arg7: memref<512xi32, #tpu.memory_space<vmem>>, %arg8: memref<512xi32, #tpu.memory_space<vmem>>, %arg9: memref<512xi32, #tpu.memory_space<vmem>>, %arg10: memref<1000x32xf32, #tpu.memory_space<vmem>>, %arg11: memref<8x16xf32, #tpu.memory_space<vmem>>, %arg12: memref<48x16xf32, #tpu.memory_space<vmem>>, %arg13: memref<512x32xf32, #tpu.memory_space<vmem>>, %arg14: memref<512x16xf32, #tpu.memory_space<vmem>>, %arg15: memref<512x16xf32, #tpu.memory_space<vmem>>, %arg16: memref<!tpu.dma_semaphore, #tpu.memory_space<semaphore_mem>>, %arg17: memref<!tpu.dma_semaphore, #tpu.memory_space<semaphore_mem>>) attributes {dimension_semantics = [#tpu.dimension_semantics<core_parallel>, #tpu.dimension_semantics<subcore_parallel>], iteration_bounds = array<i64: 2, 16>, scalar_prefetch = 0 : i64, scratch_operands = 11 : i64, tpu.core_type = #tpu.core_type<sc_vector_subcore>, window_params = [{transform_indices = #map}, {transform_indices = #map}, {transform_indices = #map}, {transform_indices = #map1}, {transform_indices = #map}]} {
    %mul3A = arith.constant 2 : i32
    %mul3A_0 = arith.muli %arg1, %mul3A : i32
    %add3A = arith.addi %mul3A_0, %arg0 : i32
    %mul3A_1 = arith.constant 512 : i32
    %mul3A_2 = arith.muli %add3A, %mul3A_1 : i32
    tpu.enqueue_dma source(%arg2 : memref<1000x32xf32, #tpu.memory_space<hbm>>) target(%arg10 : memref<1000x32xf32, #tpu.memory_space<vmem>>) target_semaphore(%arg16 : memref<!tpu.dma_semaphore, #tpu.memory_space<semaphore_mem>>)
    tpu.enqueue_dma source(%arg3 : memref<8x16xf32, #tpu.memory_space<hbm>>) target(%arg11 : memref<8x16xf32, #tpu.memory_space<vmem>>) target_semaphore(%arg16 : memref<!tpu.dma_semaphore, #tpu.memory_space<semaphore_mem>>)
    tpu.enqueue_dma source(%arg4 : memref<48x16xf32, #tpu.memory_space<hbm>>) target(%arg12 : memref<48x16xf32, #tpu.memory_space<vmem>>) target_semaphore(%arg16 : memref<!tpu.dma_semaphore, #tpu.memory_space<semaphore_mem>>)
    %add3A_3 = arith.constant 16384 : i32
    %add3A_4 = arith.addi %add3A_3, %mul3A_2 : i32
    "tpu.region"() ({
      %run_scoped3A = tpu.sem_alloc : memref<!tpu.dma_semaphore, #tpu.memory_space<semaphore_mem>>
      %dma_start3A_36 = tpu.memref_slice %arg5[%add3A_4] : memref<65536xi32, #tpu.memory_space<hbm>> -> memref<512xi32, #tpu.memory_space<hbm>>
      %dma_start3A_37 = tpu.memref_slice %arg5[%add3A_4] : memref<65536xi32, #tpu.memory_space<hbm>> -> memref<512xi32, #tpu.memory_space<hbm>>
      tpu.enqueue_dma source(%dma_start3A_37 : memref<512xi32, #tpu.memory_space<hbm>>) target(%arg7 : memref<512xi32, #tpu.memory_space<vmem>>) target_semaphore(%run_scoped3A : memref<!tpu.dma_semaphore, #tpu.memory_space<semaphore_mem>>)
      %dma_wait3A_38 = tpu.memref_slice %arg5[%add3A_4] : memref<65536xi32, #tpu.memory_space<hbm>> -> memref<512xi32, #tpu.memory_space<hbm>>
      %dma_wait3A_39 = tpu.memref_slice %arg5[%add3A_4] : memref<65536xi32, #tpu.memory_space<hbm>> -> memref<512xi32, #tpu.memory_space<hbm>>
      tpu.wait_dma2 semaphore(%run_scoped3A : memref<!tpu.dma_semaphore, #tpu.memory_space<semaphore_mem>>) src(%dma_wait3A_39 : memref<512xi32, #tpu.memory_space<hbm>>) dst(%arg7 : memref<512xi32, #tpu.memory_space<vmem>>)
      tpu.yield
    }) : () -> ()
    %add3A_5 = arith.constant 32768 : i32
    %add3A_6 = arith.addi %add3A_5, %mul3A_2 : i32
    "tpu.region"() ({
      %run_scoped3A = tpu.sem_alloc : memref<!tpu.dma_semaphore, #tpu.memory_space<semaphore_mem>>
      %dma_start3A_36 = tpu.memref_slice %arg5[%add3A_6] : memref<65536xi32, #tpu.memory_space<hbm>> -> memref<512xi32, #tpu.memory_space<hbm>>
      %dma_start3A_37 = tpu.memref_slice %arg5[%add3A_6] : memref<65536xi32, #tpu.memory_space<hbm>> -> memref<512xi32, #tpu.memory_space<hbm>>
      tpu.enqueue_dma source(%dma_start3A_37 : memref<512xi32, #tpu.memory_space<hbm>>) target(%arg8 : memref<512xi32, #tpu.memory_space<vmem>>) target_semaphore(%run_scoped3A : memref<!tpu.dma_semaphore, #tpu.memory_space<semaphore_mem>>)
      %dma_wait3A_38 = tpu.memref_slice %arg5[%add3A_6] : memref<65536xi32, #tpu.memory_space<hbm>> -> memref<512xi32, #tpu.memory_space<hbm>>
      %dma_wait3A_39 = tpu.memref_slice %arg5[%add3A_6] : memref<65536xi32, #tpu.memory_space<hbm>> -> memref<512xi32, #tpu.memory_space<hbm>>
      tpu.wait_dma2 semaphore(%run_scoped3A : memref<!tpu.dma_semaphore, #tpu.memory_space<semaphore_mem>>) src(%dma_wait3A_39 : memref<512xi32, #tpu.memory_space<hbm>>) dst(%arg8 : memref<512xi32, #tpu.memory_space<vmem>>)
      tpu.yield
    }) : () -> ()
    %add3A_7 = arith.constant 49152 : i32
    %add3A_8 = arith.addi %add3A_7, %mul3A_2 : i32
    "tpu.region"() ({
      %run_scoped3A = tpu.sem_alloc : memref<!tpu.dma_semaphore, #tpu.memory_space<semaphore_mem>>
      %dma_start3A_36 = tpu.memref_slice %arg5[%add3A_8] : memref<65536xi32, #tpu.memory_space<hbm>> -> memref<512xi32, #tpu.memory_space<hbm>>
      %dma_start3A_37 = tpu.memref_slice %arg5[%add3A_8] : memref<65536xi32, #tpu.memory_space<hbm>> -> memref<512xi32, #tpu.memory_space<hbm>>
      tpu.enqueue_dma source(%dma_start3A_37 : memref<512xi32, #tpu.memory_space<hbm>>) target(%arg9 : memref<512xi32, #tpu.memory_space<vmem>>) target_semaphore(%run_scoped3A : memref<!tpu.dma_semaphore, #tpu.memory_space<semaphore_mem>>)
      %dma_wait3A_38 = tpu.memref_slice %arg5[%add3A_8] : memref<65536xi32, #tpu.memory_space<hbm>> -> memref<512xi32, #tpu.memory_space<hbm>>
      %dma_wait3A_39 = tpu.memref_slice %arg5[%add3A_8] : memref<65536xi32, #tpu.memory_space<hbm>> -> memref<512xi32, #tpu.memory_space<hbm>>
      tpu.wait_dma2 semaphore(%run_scoped3A : memref<!tpu.dma_semaphore, #tpu.memory_space<semaphore_mem>>) src(%dma_wait3A_39 : memref<512xi32, #tpu.memory_space<hbm>>) dst(%arg9 : memref<512xi32, #tpu.memory_space<vmem>>)
      tpu.yield
    }) : () -> ()
    tpu.wait_dma2 semaphore(%arg16 : memref<!tpu.dma_semaphore, #tpu.memory_space<semaphore_mem>>) src(%arg2 : memref<1000x32xf32, #tpu.memory_space<hbm>>) dst(%arg10 : memref<1000x32xf32, #tpu.memory_space<vmem>>)
    tpu.wait_dma2 semaphore(%arg16 : memref<!tpu.dma_semaphore, #tpu.memory_space<semaphore_mem>>) src(%arg3 : memref<8x16xf32, #tpu.memory_space<hbm>>) dst(%arg11 : memref<8x16xf32, #tpu.memory_space<vmem>>)
    tpu.wait_dma2 semaphore(%arg16 : memref<!tpu.dma_semaphore, #tpu.memory_space<semaphore_mem>>) src(%arg4 : memref<48x16xf32, #tpu.memory_space<hbm>>) dst(%arg12 : memref<48x16xf32, #tpu.memory_space<vmem>>)
    %scan3A = arith.constant 0 : i32
    %scan3A_9 = arith.constant 0 : i32
    %scan3A_10 = arith.constant 32 : i32
    %scan3A_11 = arith.addi %scan3A_9, %scan3A_10 : i32
    %scan3A_12 = arith.constant 1 : i32
    scf.for %scan3A_36 = %scan3A_9 to %scan3A_11 step %scan3A_12  : i32 {
      %mul3A_37 = arith.constant 16 : i32
      %mul3A_38 = arith.muli %scan3A_36, %mul3A_37 : i32
      %get3A = arith.index_cast %mul3A_38 : i32 to index
      %get3A_39 = tpu.vector_load %arg7[%get3A] {strides = array<i32>} : memref<512xi32, #tpu.memory_space<vmem>>, vector<16xi32>,
      %get3A_40 = arith.index_cast %mul3A_38 : i32 to index
      %get3A_41 = tpu.vector_load %arg8[%get3A_40] {strides = array<i32>} : memref<512xi32, #tpu.memory_space<vmem>>, vector<16xi32>,
      %get3A_42 = arith.index_cast %mul3A_38 : i32 to index
      %get3A_43 = tpu.vector_load %arg9[%get3A_42] {strides = array<i32>} : memref<512xi32, #tpu.memory_space<vmem>>, vector<16xi32>,
      %iota3A = tpu.iota {dimensions = array<i32: 0>} : vector<16xi32>
      %add3A_44 = vector.broadcast %mul3A_38 : i32 to vector<16xi32>
      %add3A_45 = arith.addi %add3A_44, %iota3A : vector<16xi32>
      %broadcast_in_dim3A = arith.constant 0 : i32
      %broadcast_in_dim3A_46 = vector.broadcast %broadcast_in_dim3A : i32 to vector<16xi32>
      %gather3A = tpu.vector_load_idx %arg10[%get3A_39, %broadcast_in_dim3A_46] : memref<1000x32xf32, #tpu.memory_space<vmem>>[vector<16xi32>, vector<16xi32>], vector<16xf32>,
      tpu.vector_store_idx %arg13[%add3A_45, %broadcast_in_dim3A_46], %gather3A : memref<512x32xf32, #tpu.memory_space<vmem>>[vector<16xi32>, vector<16xi32>], vector<16xf32>,
      %broadcast_in_dim3A_47 = arith.constant 1 : i32
      %broadcast_in_dim3A_48 = vector.broadcast %broadcast_in_dim3A_47 : i32 to vector<16xi32>
      %gather3A_49 = tpu.vector_load_idx %arg10[%get3A_39, %broadcast_in_dim3A_48] : memref<1000x32xf32, #tpu.memory_space<vmem>>[vector<16xi32>, vector<16xi32>], vector<16xf32>,
      tpu.vector_store_idx %arg13[%add3A_45, %broadcast_in_dim3A_48], %gather3A_49 : memref<512x32xf32, #tpu.memory_space<vmem>>[vector<16xi32>, vector<16xi32>], vector<16xf32>,
      %broadcast_in_dim3A_50 = arith.constant 2 : i32
      %broadcast_in_dim3A_51 = vector.broadcast %broadcast_in_dim3A_50 : i32 to vector<16xi32>
      %gather3A_52 = tpu.vector_load_idx %arg10[%get3A_39, %broadcast_in_dim3A_51] : memref<1000x32xf32, #tpu.memory_space<vmem>>[vector<16xi32>, vector<16xi32>], vector<16xf32>,
      tpu.vector_store_idx %arg13[%add3A_45, %broadcast_in_dim3A_51], %gather3A_52 : memref<512x32xf32, #tpu.memory_space<vmem>>[vector<16xi32>, vector<16xi32>], vector<16xf32>,
      %broadcast_in_dim3A_53 = arith.constant 3 : i32
      %broadcast_in_dim3A_54 = vector.broadcast %broadcast_in_dim3A_53 : i32 to vector<16xi32>
      %gather3A_55 = tpu.vector_load_idx %arg10[%get3A_39, %broadcast_in_dim3A_54] : memref<1000x32xf32, #tpu.memory_space<vmem>>[vector<16xi32>, vector<16xi32>], vector<16xf32>,
      tpu.vector_store_idx %arg13[%add3A_45, %broadcast_in_dim3A_54], %gather3A_55 : memref<512x32xf32, #tpu.memory_space<vmem>>[vector<16xi32>, vector<16xi32>], vector<16xf32>,
      %broadcast_in_dim3A_56 = arith.constant 4 : i32
      %broadcast_in_dim3A_57 = vector.broadcast %broadcast_in_dim3A_56 : i32 to vector<16xi32>
      %gather3A_58 = tpu.vector_load_idx %arg10[%get3A_39, %broadcast_in_dim3A_57] : memref<1000x32xf32, #tpu.memory_space<vmem>>[vector<16xi32>, vector<16xi32>], vector<16xf32>,
      tpu.vector_store_idx %arg13[%add3A_45, %broadcast_in_dim3A_57], %gather3A_58 : memref<512x32xf32, #tpu.memory_space<vmem>>[vector<16xi32>, vector<16xi32>], vector<16xf32>,
      %broadcast_in_dim3A_59 = arith.constant 5 : i32
      %broadcast_in_dim3A_60 = vector.broadcast %broadcast_in_dim3A_59 : i32 to vector<16xi32>
      %gather3A_61 = tpu.vector_load_idx %arg10[%get3A_39, %broadcast_in_dim3A_60] : memref<1000x32xf32, #tpu.memory_space<vmem>>[vector<16xi32>, vector<16xi32>], vector<16xf32>,
      tpu.vector_store_idx %arg13[%add3A_45, %broadcast_in_dim3A_60], %gather3A_61 : memref<512x32xf32, #tpu.memory_space<vmem>>[vector<16xi32>, vector<16xi32>], vector<16xf32>,
      %broadcast_in_dim3A_62 = arith.constant 6 : i32
      %broadcast_in_dim3A_63 = vector.broadcast %broadcast_in_dim3A_62 : i32 to vector<16xi32>
      %gather3A_64 = tpu.vector_load_idx %arg10[%get3A_39, %broadcast_in_dim3A_63] : memref<1000x32xf32, #tpu.memory_space<vmem>>[vector<16xi32>, vector<16xi32>], vector<16xf32>,
      tpu.vector_store_idx %arg13[%add3A_45, %broadcast_in_dim3A_63], %gather3A_64 : memref<512x32xf32, #tpu.memory_space<vmem>>[vector<16xi32>, vector<16xi32>], vector<16xf32>,
      %broadcast_in_dim3A_65 = arith.constant 7 : i32
      %broadcast_in_dim3A_66 = vector.broadcast %broadcast_in_dim3A_65 : i32 to vector<16xi32>
      %gather3A_67 = tpu.vector_load_idx %arg10[%get3A_39, %broadcast_in_dim3A_66] : memref<1000x32xf32, #tpu.memory_space<vmem>>[vector<16xi32>, vector<16xi32>], vector<16xf32>,
      tpu.vector_store_idx %arg13[%add3A_45, %broadcast_in_dim3A_66], %gather3A_67 : memref<512x32xf32, #tpu.memory_space<vmem>>[vector<16xi32>, vector<16xi32>], vector<16xf32>,
      %broadcast_in_dim3A_68 = arith.constant 8 : i32
      %broadcast_in_dim3A_69 = vector.broadcast %broadcast_in_dim3A_68 : i32 to vector<16xi32>
      %gather3A_70 = tpu.vector_load_idx %arg10[%get3A_39, %broadcast_in_dim3A_69] : memref<1000x32xf32, #tpu.memory_space<vmem>>[vector<16xi32>, vector<16xi32>], vector<16xf32>,
      tpu.vector_store_idx %arg13[%add3A_45, %broadcast_in_dim3A_69], %gather3A_70 : memref<512x32xf32, #tpu.memory_space<vmem>>[vector<16xi32>, vector<16xi32>], vector<16xf32>,
      %broadcast_in_dim3A_71 = arith.constant 9 : i32
      %broadcast_in_dim3A_72 = vector.broadcast %broadcast_in_dim3A_71 : i32 to vector<16xi32>
      %gather3A_73 = tpu.vector_load_idx %arg10[%get3A_39, %broadcast_in_dim3A_72] : memref<1000x32xf32, #tpu.memory_space<vmem>>[vector<16xi32>, vector<16xi32>], vector<16xf32>,
      tpu.vector_store_idx %arg13[%add3A_45, %broadcast_in_dim3A_72], %gather3A_73 : memref<512x32xf32, #tpu.memory_space<vmem>>[vector<16xi32>, vector<16xi32>], vector<16xf32>,
      %broadcast_in_dim3A_74 = arith.constant 10 : i32
      %broadcast_in_dim3A_75 = vector.broadcast %broadcast_in_dim3A_74 : i32 to vector<16xi32>
      %gather3A_76 = tpu.vector_load_idx %arg10[%get3A_39, %broadcast_in_dim3A_75] : memref<1000x32xf32, #tpu.memory_space<vmem>>[vector<16xi32>, vector<16xi32>], vector<16xf32>,
      tpu.vector_store_idx %arg13[%add3A_45, %broadcast_in_dim3A_75], %gather3A_76 : memref<512x32xf32, #tpu.memory_space<vmem>>[vector<16xi32>, vector<16xi32>], vector<16xf32>,
      %broadcast_in_dim3A_77 = arith.constant 11 : i32
      %broadcast_in_dim3A_78 = vector.broadcast %broadcast_in_dim3A_77 : i32 to vector<16xi32>
      %gather3A_79 = tpu.vector_load_idx %arg10[%get3A_39, %broadcast_in_dim3A_78] : memref<1000x32xf32, #tpu.memory_space<vmem>>[vector<16xi32>, vector<16xi32>], vector<16xf32>,
      tpu.vector_store_idx %arg13[%add3A_45, %broadcast_in_dim3A_78], %gather3A_79 : memref<512x32xf32, #tpu.memory_space<vmem>>[vector<16xi32>, vector<16xi32>], vector<16xf32>,
      %broadcast_in_dim3A_80 = arith.constant 12 : i32
      %broadcast_in_dim3A_81 = vector.broadcast %broadcast_in_dim3A_80 : i32 to vector<16xi32>
      %gather3A_82 = tpu.vector_load_idx %arg10[%get3A_39, %broadcast_in_dim3A_81] : memref<1000x32xf32, #tpu.memory_space<vmem>>[vector<16xi32>, vector<16xi32>], vector<16xf32>,
      tpu.vector_store_idx %arg13[%add3A_45, %broadcast_in_dim3A_81], %gather3A_82 : memref<512x32xf32, #tpu.memory_space<vmem>>[vector<16xi32>, vector<16xi32>], vector<16xf32>,
      %broadcast_in_dim3A_83 = arith.constant 13 : i32
      %broadcast_in_dim3A_84 = vector.broadcast %broadcast_in_dim3A_83 : i32 to vector<16xi32>
      %gather3A_85 = tpu.vector_load_idx %arg10[%get3A_39, %broadcast_in_dim3A_84] : memref<1000x32xf32, #tpu.memory_space<vmem>>[vector<16xi32>, vector<16xi32>], vector<16xf32>,
      tpu.vector_store_idx %arg13[%add3A_45, %broadcast_in_dim3A_84], %gather3A_85 : memref<512x32xf32, #tpu.memory_space<vmem>>[vector<16xi32>, vector<16xi32>], vector<16xf32>,
      %broadcast_in_dim3A_86 = arith.constant 14 : i32
      %broadcast_in_dim3A_87 = vector.broadcast %broadcast_in_dim3A_86 : i32 to vector<16xi32>
      %gather3A_88 = tpu.vector_load_idx %arg10[%get3A_39, %broadcast_in_dim3A_87] : memref<1000x32xf32, #tpu.memory_space<vmem>>[vector<16xi32>, vector<16xi32>], vector<16xf32>,
      tpu.vector_store_idx %arg13[%add3A_45, %broadcast_in_dim3A_87], %gather3A_88 : memref<512x32xf32, #tpu.memory_space<vmem>>[vector<16xi32>, vector<16xi32>], vector<16xf32>,
      %broadcast_in_dim3A_89 = arith.constant 15 : i32
      %broadcast_in_dim3A_90 = vector.broadcast %broadcast_in_dim3A_89 : i32 to vector<16xi32>
      %gather3A_91 = tpu.vector_load_idx %arg10[%get3A_39, %broadcast_in_dim3A_90] : memref<1000x32xf32, #tpu.memory_space<vmem>>[vector<16xi32>, vector<16xi32>], vector<16xf32>,
      tpu.vector_store_idx %arg13[%add3A_45, %broadcast_in_dim3A_90], %gather3A_91 : memref<512x32xf32, #tpu.memory_space<vmem>>[vector<16xi32>, vector<16xi32>], vector<16xf32>,
      %broadcast_in_dim3A_92 = arith.constant 16 : i32
      %broadcast_in_dim3A_93 = vector.broadcast %broadcast_in_dim3A_92 : i32 to vector<16xi32>
      %gather3A_94 = tpu.vector_load_idx %arg10[%get3A_39, %broadcast_in_dim3A_93] : memref<1000x32xf32, #tpu.memory_space<vmem>>[vector<16xi32>, vector<16xi32>], vector<16xf32>,
      tpu.vector_store_idx %arg13[%add3A_45, %broadcast_in_dim3A_93], %gather3A_94 : memref<512x32xf32, #tpu.memory_space<vmem>>[vector<16xi32>, vector<16xi32>], vector<16xf32>,
      %broadcast_in_dim3A_95 = arith.constant 17 : i32
      %broadcast_in_dim3A_96 = vector.broadcast %broadcast_in_dim3A_95 : i32 to vector<16xi32>
      %gather3A_97 = tpu.vector_load_idx %arg10[%get3A_39, %broadcast_in_dim3A_96] : memref<1000x32xf32, #tpu.memory_space<vmem>>[vector<16xi32>, vector<16xi32>], vector<16xf32>,
      tpu.vector_store_idx %arg13[%add3A_45, %broadcast_in_dim3A_96], %gather3A_97 : memref<512x32xf32, #tpu.memory_space<vmem>>[vector<16xi32>, vector<16xi32>], vector<16xf32>,
      %broadcast_in_dim3A_98 = arith.constant 18 : i32
      %broadcast_in_dim3A_99 = vector.broadcast %broadcast_in_dim3A_98 : i32 to vector<16xi32>
      %gather3A_100 = tpu.vector_load_idx %arg10[%get3A_39, %broadcast_in_dim3A_99] : memref<1000x32xf32, #tpu.memory_space<vmem>>[vector<16xi32>, vector<16xi32>], vector<16xf32>,
      tpu.vector_store_idx %arg13[%add3A_45, %broadcast_in_dim3A_99], %gather3A_100 : memref<512x32xf32, #tpu.memory_space<vmem>>[vector<16xi32>, vector<16xi32>], vector<16xf32>,
      %broadcast_in_dim3A_101 = arith.constant 19 : i32
      %broadcast_in_dim3A_102 = vector.broadcast %broadcast_in_dim3A_101 : i32 to vector<16xi32>
      %gather3A_103 = tpu.vector_load_idx %arg10[%get3A_39, %broadcast_in_dim3A_102] : memref<1000x32xf32, #tpu.memory_space<vmem>>[vector<16xi32>, vector<16xi32>], vector<16xf32>,
      tpu.vector_store_idx %arg13[%add3A_45, %broadcast_in_dim3A_102], %gather3A_103 : memref<512x32xf32, #tpu.memory_space<vmem>>[vector<16xi32>, vector<16xi32>], vector<16xf32>,
      %broadcast_in_dim3A_104 = arith.constant 20 : i32
      %broadcast_in_dim3A_105 = vector.broadcast %broadcast_in_dim3A_104 : i32 to vector<16xi32>
      %gather3A_106 = tpu.vector_load_idx %arg10[%get3A_39, %broadcast_in_dim3A_105] : memref<1000x32xf32, #tpu.memory_space<vmem>>[vector<16xi32>, vector<16xi32>], vector<16xf32>,
      tpu.vector_store_idx %arg13[%add3A_45, %broadcast_in_dim3A_105], %gather3A_106 : memref<512x32xf32, #tpu.memory_space<vmem>>[vector<16xi32>, vector<16xi32>], vector<16xf32>,
      %broadcast_in_dim3A_107 = arith.constant 21 : i32
      %broadcast_in_dim3A_108 = vector.broadcast %broadcast_in_dim3A_107 : i32 to vector<16xi32>
      %gather3A_109 = tpu.vector_load_idx %arg10[%get3A_39, %broadcast_in_dim3A_108] : memref<1000x32xf32, #tpu.memory_space<vmem>>[vector<16xi32>, vector<16xi32>], vector<16xf32>,
      tpu.vector_store_idx %arg13[%add3A_45, %broadcast_in_dim3A_108], %gather3A_109 : memref<512x32xf32, #tpu.memory_space<vmem>>[vector<16xi32>, vector<16xi32>], vector<16xf32>,
      %broadcast_in_dim3A_110 = arith.constant 22 : i32
      %broadcast_in_dim3A_111 = vector.broadcast %broadcast_in_dim3A_110 : i32 to vector<16xi32>
      %gather3A_112 = tpu.vector_load_idx %arg10[%get3A_39, %broadcast_in_dim3A_111] : memref<1000x32xf32, #tpu.memory_space<vmem>>[vector<16xi32>, vector<16xi32>], vector<16xf32>,
      tpu.vector_store_idx %arg13[%add3A_45, %broadcast_in_dim3A_111], %gather3A_112 : memref<512x32xf32, #tpu.memory_space<vmem>>[vector<16xi32>, vector<16xi32>], vector<16xf32>,
      %broadcast_in_dim3A_113 = arith.constant 23 : i32
      %broadcast_in_dim3A_114 = vector.broadcast %broadcast_in_dim3A_113 : i32 to vector<16xi32>
      %gather3A_115 = tpu.vector_load_idx %arg10[%get3A_39, %broadcast_in_dim3A_114] : memref<1000x32xf32, #tpu.memory_space<vmem>>[vector<16xi32>, vector<16xi32>], vector<16xf32>,
      tpu.vector_store_idx %arg13[%add3A_45, %broadcast_in_dim3A_114], %gather3A_115 : memref<512x32xf32, #tpu.memory_space<vmem>>[vector<16xi32>, vector<16xi32>], vector<16xf32>,
      %broadcast_in_dim3A_116 = arith.constant 24 : i32
      %broadcast_in_dim3A_117 = vector.broadcast %broadcast_in_dim3A_116 : i32 to vector<16xi32>
      %gather3A_118 = tpu.vector_load_idx %arg10[%get3A_39, %broadcast_in_dim3A_117] : memref<1000x32xf32, #tpu.memory_space<vmem>>[vector<16xi32>, vector<16xi32>], vector<16xf32>,
      tpu.vector_store_idx %arg13[%add3A_45, %broadcast_in_dim3A_117], %gather3A_118 : memref<512x32xf32, #tpu.memory_space<vmem>>[vector<16xi32>, vector<16xi32>], vector<16xf32>,
      %broadcast_in_dim3A_119 = arith.constant 25 : i32
      %broadcast_in_dim3A_120 = vector.broadcast %broadcast_in_dim3A_119 : i32 to vector<16xi32>
      %gather3A_121 = tpu.vector_load_idx %arg10[%get3A_39, %broadcast_in_dim3A_120] : memref<1000x32xf32, #tpu.memory_space<vmem>>[vector<16xi32>, vector<16xi32>], vector<16xf32>,
      tpu.vector_store_idx %arg13[%add3A_45, %broadcast_in_dim3A_120], %gather3A_121 : memref<512x32xf32, #tpu.memory_space<vmem>>[vector<16xi32>, vector<16xi32>], vector<16xf32>,
      %broadcast_in_dim3A_122 = arith.constant 26 : i32
      %broadcast_in_dim3A_123 = vector.broadcast %broadcast_in_dim3A_122 : i32 to vector<16xi32>
      %gather3A_124 = tpu.vector_load_idx %arg10[%get3A_39, %broadcast_in_dim3A_123] : memref<1000x32xf32, #tpu.memory_space<vmem>>[vector<16xi32>, vector<16xi32>], vector<16xf32>,
      tpu.vector_store_idx %arg13[%add3A_45, %broadcast_in_dim3A_123], %gather3A_124 : memref<512x32xf32, #tpu.memory_space<vmem>>[vector<16xi32>, vector<16xi32>], vector<16xf32>,
      %broadcast_in_dim3A_125 = arith.constant 27 : i32
      %broadcast_in_dim3A_126 = vector.broadcast %broadcast_in_dim3A_125 : i32 to vector<16xi32>
      %gather3A_127 = tpu.vector_load_idx %arg10[%get3A_39, %broadcast_in_dim3A_126] : memref<1000x32xf32, #tpu.memory_space<vmem>>[vector<16xi32>, vector<16xi32>], vector<16xf32>,
      tpu.vector_store_idx %arg13[%add3A_45, %broadcast_in_dim3A_126], %gather3A_127 : memref<512x32xf32, #tpu.memory_space<vmem>>[vector<16xi32>, vector<16xi32>], vector<16xf32>,
      %broadcast_in_dim3A_128 = arith.constant 28 : i32
      %broadcast_in_dim3A_129 = vector.broadcast %broadcast_in_dim3A_128 : i32 to vector<16xi32>
      %gather3A_130 = tpu.vector_load_idx %arg10[%get3A_39, %broadcast_in_dim3A_129] : memref<1000x32xf32, #tpu.memory_space<vmem>>[vector<16xi32>, vector<16xi32>], vector<16xf32>,
      tpu.vector_store_idx %arg13[%add3A_45, %broadcast_in_dim3A_129], %gather3A_130 : memref<512x32xf32, #tpu.memory_space<vmem>>[vector<16xi32>, vector<16xi32>], vector<16xf32>,
      %broadcast_in_dim3A_131 = arith.constant 29 : i32
      %broadcast_in_dim3A_132 = vector.broadcast %broadcast_in_dim3A_131 : i32 to vector<16xi32>
      %gather3A_133 = tpu.vector_load_idx %arg10[%get3A_39, %broadcast_in_dim3A_132] : memref<1000x32xf32, #tpu.memory_space<vmem>>[vector<16xi32>, vector<16xi32>], vector<16xf32>,
      tpu.vector_store_idx %arg13[%add3A_45, %broadcast_in_dim3A_132], %gather3A_133 : memref<512x32xf32, #tpu.memory_space<vmem>>[vector<16xi32>, vector<16xi32>], vector<16xf32>,
      %broadcast_in_dim3A_134 = arith.constant 30 : i32
      %broadcast_in_dim3A_135 = vector.broadcast %broadcast_in_dim3A_134 : i32 to vector<16xi32>
      %gather3A_136 = tpu.vector_load_idx %arg10[%get3A_39, %broadcast_in_dim3A_135] : memref<1000x32xf32, #tpu.memory_space<vmem>>[vector<16xi32>, vector<16xi32>], vector<16xf32>,
      tpu.vector_store_idx %arg13[%add3A_45, %broadcast_in_dim3A_135], %gather3A_136 : memref<512x32xf32, #tpu.memory_space<vmem>>[vector<16xi32>, vector<16xi32>], vector<16xf32>,
      %broadcast_in_dim3A_137 = arith.constant 31 : i32
      %broadcast_in_dim3A_138 = vector.broadcast %broadcast_in_dim3A_137 : i32 to vector<16xi32>
      %gather3A_139 = tpu.vector_load_idx %arg10[%get3A_39, %broadcast_in_dim3A_138] : memref<1000x32xf32, #tpu.memory_space<vmem>>[vector<16xi32>, vector<16xi32>], vector<16xf32>,
      tpu.vector_store_idx %arg13[%add3A_45, %broadcast_in_dim3A_138], %gather3A_139 : memref<512x32xf32, #tpu.memory_space<vmem>>[vector<16xi32>, vector<16xi32>], vector<16xf32>,
      %broadcast_in_dim3A_140 = arith.constant 0 : i32
      %broadcast_in_dim3A_141 = vector.broadcast %broadcast_in_dim3A_140 : i32 to vector<16xi32>
      %gather3A_142 = tpu.vector_load_idx %arg11[%get3A_41, %broadcast_in_dim3A_141] : memref<8x16xf32, #tpu.memory_space<vmem>>[vector<16xi32>, vector<16xi32>], vector<16xf32>,
      tpu.vector_store_idx %arg14[%add3A_45, %broadcast_in_dim3A_141], %gather3A_142 : memref<512x16xf32, #tpu.memory_space<vmem>>[vector<16xi32>, vector<16xi32>], vector<16xf32>,
      %gather3A_143 = tpu.vector_load_idx %arg12[%get3A_43, %broadcast_in_dim3A_141] : memref<48x16xf32, #tpu.memory_space<vmem>>[vector<16xi32>, vector<16xi32>], vector<16xf32>,
      tpu.vector_store_idx %arg15[%add3A_45, %broadcast_in_dim3A_141], %gather3A_143 : memref<512x16xf32, #tpu.memory_space<vmem>>[vector<16xi32>, vector<16xi32>], vector<16xf32>,
      %broadcast_in_dim3A_144 = arith.constant 1 : i32
      %broadcast_in_dim3A_145 = vector.broadcast %broadcast_in_dim3A_144 : i32 to vector<16xi32>
      %gather3A_146 = tpu.vector_load_idx %arg11[%get3A_41, %broadcast_in_dim3A_145] : memref<8x16xf32, #tpu.memory_space<vmem>>[vector<16xi32>, vector<16xi32>], vector<16xf32>,
      tpu.vector_store_idx %arg14[%add3A_45, %broadcast_in_dim3A_145], %gather3A_146 : memref<512x16xf32, #tpu.memory_space<vmem>>[vector<16xi32>, vector<16xi32>], vector<16xf32>,
      %gather3A_147 = tpu.vector_load_idx %arg12[%get3A_43, %broadcast_in_dim3A_145] : memref<48x16xf32, #tpu.memory_space<vmem>>[vector<16xi32>, vector<16xi32>], vector<16xf32>,
      tpu.vector_store_idx %arg15[%add3A_45, %broadcast_in_dim3A_145], %gather3A_147 : memref<512x16xf32, #tpu.memory_space<vmem>>[vector<16xi32>, vector<16xi32>], vector<16xf32>,
      %broadcast_in_dim3A_148 = arith.constant 2 : i32
      %broadcast_in_dim3A_149 = vector.broadcast %broadcast_in_dim3A_148 : i32 to vector<16xi32>
      %gather3A_150 = tpu.vector_load_idx %arg11[%get3A_41, %broadcast_in_dim3A_149] : memref<8x16xf32, #tpu.memory_space<vmem>>[vector<16xi32>, vector<16xi32>], vector<16xf32>,
      tpu.vector_store_idx %arg14[%add3A_45, %broadcast_in_dim3A_149], %gather3A_150 : memref<512x16xf32, #tpu.memory_space<vmem>>[vector<16xi32>, vector<16xi32>], vector<16xf32>,
      %gather3A_151 = tpu.vector_load_idx %arg12[%get3A_43, %broadcast_in_dim3A_149] : memref<48x16xf32, #tpu.memory_space<vmem>>[vector<16xi32>, vector<16xi32>], vector<16xf32>,
      tpu.vector_store_idx %arg15[%add3A_45, %broadcast_in_dim3A_149], %gather3A_151 : memref<512x16xf32, #tpu.memory_space<vmem>>[vector<16xi32>, vector<16xi32>], vector<16xf32>,
      %broadcast_in_dim3A_152 = arith.constant 3 : i32
      %broadcast_in_dim3A_153 = vector.broadcast %broadcast_in_dim3A_152 : i32 to vector<16xi32>
      %gather3A_154 = tpu.vector_load_idx %arg11[%get3A_41, %broadcast_in_dim3A_153] : memref<8x16xf32, #tpu.memory_space<vmem>>[vector<16xi32>, vector<16xi32>], vector<16xf32>,
      tpu.vector_store_idx %arg14[%add3A_45, %broadcast_in_dim3A_153], %gather3A_154 : memref<512x16xf32, #tpu.memory_space<vmem>>[vector<16xi32>, vector<16xi32>], vector<16xf32>,
      %gather3A_155 = tpu.vector_load_idx %arg12[%get3A_43, %broadcast_in_dim3A_153] : memref<48x16xf32, #tpu.memory_space<vmem>>[vector<16xi32>, vector<16xi32>], vector<16xf32>,
      tpu.vector_store_idx %arg15[%add3A_45, %broadcast_in_dim3A_153], %gather3A_155 : memref<512x16xf32, #tpu.memory_space<vmem>>[vector<16xi32>, vector<16xi32>], vector<16xf32>,
      %broadcast_in_dim3A_156 = arith.constant 4 : i32
      %broadcast_in_dim3A_157 = vector.broadcast %broadcast_in_dim3A_156 : i32 to vector<16xi32>
      %gather3A_158 = tpu.vector_load_idx %arg11[%get3A_41, %broadcast_in_dim3A_157] : memref<8x16xf32, #tpu.memory_space<vmem>>[vector<16xi32>, vector<16xi32>], vector<16xf32>,
      tpu.vector_store_idx %arg14[%add3A_45, %broadcast_in_dim3A_157], %gather3A_158 : memref<512x16xf32, #tpu.memory_space<vmem>>[vector<16xi32>, vector<16xi32>], vector<16xf32>,
      %gather3A_159 = tpu.vector_load_idx %arg12[%get3A_43, %broadcast_in_dim3A_157] : memref<48x16xf32, #tpu.memory_space<vmem>>[vector<16xi32>, vector<16xi32>], vector<16xf32>,
      tpu.vector_store_idx %arg15[%add3A_45, %broadcast_in_dim3A_157], %gather3A_159 : memref<512x16xf32, #tpu.memory_space<vmem>>[vector<16xi32>, vector<16xi32>], vector<16xf32>,
      %broadcast_in_dim3A_160 = arith.constant 5 : i32
      %broadcast_in_dim3A_161 = vector.broadcast %broadcast_in_dim3A_160 : i32 to vector<16xi32>
      %gather3A_162 = tpu.vector_load_idx %arg11[%get3A_41, %broadcast_in_dim3A_161] : memref<8x16xf32, #tpu.memory_space<vmem>>[vector<16xi32>, vector<16xi32>], vector<16xf32>,
      tpu.vector_store_idx %arg14[%add3A_45, %broadcast_in_dim3A_161], %gather3A_162 : memref<512x16xf32, #tpu.memory_space<vmem>>[vector<16xi32>, vector<16xi32>], vector<16xf32>,
      %gather3A_163 = tpu.vector_load_idx %arg12[%get3A_43, %broadcast_in_dim3A_161] : memref<48x16xf32, #tpu.memory_space<vmem>>[vector<16xi32>, vector<16xi32>], vector<16xf32>,
      tpu.vector_store_idx %arg15[%add3A_45, %broadcast_in_dim3A_161], %gather3A_163 : memref<512x16xf32, #tpu.memory_space<vmem>>[vector<16xi32>, vector<16xi32>], vector<16xf32>,
      %broadcast_in_dim3A_164 = arith.constant 6 : i32
      %broadcast_in_dim3A_165 = vector.broadcast %broadcast_in_dim3A_164 : i32 to vector<16xi32>
      %gather3A_166 = tpu.vector_load_idx %arg11[%get3A_41, %broadcast_in_dim3A_165] : memref<8x16xf32, #tpu.memory_space<vmem>>[vector<16xi32>, vector<16xi32>], vector<16xf32>,
      tpu.vector_store_idx %arg14[%add3A_45, %broadcast_in_dim3A_165], %gather3A_166 : memref<512x16xf32, #tpu.memory_space<vmem>>[vector<16xi32>, vector<16xi32>], vector<16xf32>,
      %gather3A_167 = tpu.vector_load_idx %arg12[%get3A_43, %broadcast_in_dim3A_165] : memref<48x16xf32, #tpu.memory_space<vmem>>[vector<16xi32>, vector<16xi32>], vector<16xf32>,
      tpu.vector_store_idx %arg15[%add3A_45, %broadcast_in_dim3A_165], %gather3A_167 : memref<512x16xf32, #tpu.memory_space<vmem>>[vector<16xi32>, vector<16xi32>], vector<16xf32>,
      %broadcast_in_dim3A_168 = arith.constant 7 : i32
      %broadcast_in_dim3A_169 = vector.broadcast %broadcast_in_dim3A_168 : i32 to vector<16xi32>
      %gather3A_170 = tpu.vector_load_idx %arg11[%get3A_41, %broadcast_in_dim3A_169] : memref<8x16xf32, #tpu.memory_space<vmem>>[vector<16xi32>, vector<16xi32>], vector<16xf32>,
      tpu.vector_store_idx %arg14[%add3A_45, %broadcast_in_dim3A_169], %gather3A_170 : memref<512x16xf32, #tpu.memory_space<vmem>>[vector<16xi32>, vector<16xi32>], vector<16xf32>,
      %gather3A_171 = tpu.vector_load_idx %arg12[%get3A_43, %broadcast_in_dim3A_169] : memref<48x16xf32, #tpu.memory_space<vmem>>[vector<16xi32>, vector<16xi32>], vector<16xf32>,
      tpu.vector_store_idx %arg15[%add3A_45, %broadcast_in_dim3A_169], %gather3A_171 : memref<512x16xf32, #tpu.memory_space<vmem>>[vector<16xi32>, vector<16xi32>], vector<16xf32>,
      %broadcast_in_dim3A_172 = arith.constant 8 : i32
      %broadcast_in_dim3A_173 = vector.broadcast %broadcast_in_dim3A_172 : i32 to vector<16xi32>
      %gather3A_174 = tpu.vector_load_idx %arg11[%get3A_41, %broadcast_in_dim3A_173] : memref<8x16xf32, #tpu.memory_space<vmem>>[vector<16xi32>, vector<16xi32>], vector<16xf32>,
      tpu.vector_store_idx %arg14[%add3A_45, %broadcast_in_dim3A_173], %gather3A_174 : memref<512x16xf32, #tpu.memory_space<vmem>>[vector<16xi32>, vector<16xi32>], vector<16xf32>,
      %gather3A_175 = tpu.vector_load_idx %arg12[%get3A_43, %broadcast_in_dim3A_173] : memref<48x16xf32, #tpu.memory_space<vmem>>[vector<16xi32>, vector<16xi32>], vector<16xf32>,
      tpu.vector_store_idx %arg15[%add3A_45, %broadcast_in_dim3A_173], %gather3A_175 : memref<512x16xf32, #tpu.memory_space<vmem>>[vector<16xi32>, vector<16xi32>], vector<16xf32>,
      %broadcast_in_dim3A_176 = arith.constant 9 : i32
      %broadcast_in_dim3A_177 = vector.broadcast %broadcast_in_dim3A_176 : i32 to vector<16xi32>
      %gather3A_178 = tpu.vector_load_idx %arg11[%get3A_41, %broadcast_in_dim3A_177] : memref<8x16xf32, #tpu.memory_space<vmem>>[vector<16xi32>, vector<16xi32>], vector<16xf32>,
      tpu.vector_store_idx %arg14[%add3A_45, %broadcast_in_dim3A_177], %gather3A_178 : memref<512x16xf32, #tpu.memory_space<vmem>>[vector<16xi32>, vector<16xi32>], vector<16xf32>,
      %gather3A_179 = tpu.vector_load_idx %arg12[%get3A_43, %broadcast_in_dim3A_177] : memref<48x16xf32, #tpu.memory_space<vmem>>[vector<16xi32>, vector<16xi32>], vector<16xf32>,
      tpu.vector_store_idx %arg15[%add3A_45, %broadcast_in_dim3A_177], %gather3A_179 : memref<512x16xf32, #tpu.memory_space<vmem>>[vector<16xi32>, vector<16xi32>], vector<16xf32>,
      %broadcast_in_dim3A_180 = arith.constant 10 : i32
      %broadcast_in_dim3A_181 = vector.broadcast %broadcast_in_dim3A_180 : i32 to vector<16xi32>
      %gather3A_182 = tpu.vector_load_idx %arg11[%get3A_41, %broadcast_in_dim3A_181] : memref<8x16xf32, #tpu.memory_space<vmem>>[vector<16xi32>, vector<16xi32>], vector<16xf32>,
      tpu.vector_store_idx %arg14[%add3A_45, %broadcast_in_dim3A_181], %gather3A_182 : memref<512x16xf32, #tpu.memory_space<vmem>>[vector<16xi32>, vector<16xi32>], vector<16xf32>,
      %gather3A_183 = tpu.vector_load_idx %arg12[%get3A_43, %broadcast_in_dim3A_181] : memref<48x16xf32, #tpu.memory_space<vmem>>[vector<16xi32>, vector<16xi32>], vector<16xf32>,
      tpu.vector_store_idx %arg15[%add3A_45, %broadcast_in_dim3A_181], %gather3A_183 : memref<512x16xf32, #tpu.memory_space<vmem>>[vector<16xi32>, vector<16xi32>], vector<16xf32>,
      %broadcast_in_dim3A_184 = arith.constant 11 : i32
      %broadcast_in_dim3A_185 = vector.broadcast %broadcast_in_dim3A_184 : i32 to vector<16xi32>
      %gather3A_186 = tpu.vector_load_idx %arg11[%get3A_41, %broadcast_in_dim3A_185] : memref<8x16xf32, #tpu.memory_space<vmem>>[vector<16xi32>, vector<16xi32>], vector<16xf32>,
      tpu.vector_store_idx %arg14[%add3A_45, %broadcast_in_dim3A_185], %gather3A_186 : memref<512x16xf32, #tpu.memory_space<vmem>>[vector<16xi32>, vector<16xi32>], vector<16xf32>,
      %gather3A_187 = tpu.vector_load_idx %arg12[%get3A_43, %broadcast_in_dim3A_185] : memref<48x16xf32, #tpu.memory_space<vmem>>[vector<16xi32>, vector<16xi32>], vector<16xf32>,
      tpu.vector_store_idx %arg15[%add3A_45, %broadcast_in_dim3A_185], %gather3A_187 : memref<512x16xf32, #tpu.memory_space<vmem>>[vector<16xi32>, vector<16xi32>], vector<16xf32>,
      %broadcast_in_dim3A_188 = arith.constant 12 : i32
      %broadcast_in_dim3A_189 = vector.broadcast %broadcast_in_dim3A_188 : i32 to vector<16xi32>
      %gather3A_190 = tpu.vector_load_idx %arg11[%get3A_41, %broadcast_in_dim3A_189] : memref<8x16xf32, #tpu.memory_space<vmem>>[vector<16xi32>, vector<16xi32>], vector<16xf32>,
      tpu.vector_store_idx %arg14[%add3A_45, %broadcast_in_dim3A_189], %gather3A_190 : memref<512x16xf32, #tpu.memory_space<vmem>>[vector<16xi32>, vector<16xi32>], vector<16xf32>,
      %gather3A_191 = tpu.vector_load_idx %arg12[%get3A_43, %broadcast_in_dim3A_189] : memref<48x16xf32, #tpu.memory_space<vmem>>[vector<16xi32>, vector<16xi32>], vector<16xf32>,
      tpu.vector_store_idx %arg15[%add3A_45, %broadcast_in_dim3A_189], %gather3A_191 : memref<512x16xf32, #tpu.memory_space<vmem>>[vector<16xi32>, vector<16xi32>], vector<16xf32>,
      %broadcast_in_dim3A_192 = arith.constant 13 : i32
      %broadcast_in_dim3A_193 = vector.broadcast %broadcast_in_dim3A_192 : i32 to vector<16xi32>
      %gather3A_194 = tpu.vector_load_idx %arg11[%get3A_41, %broadcast_in_dim3A_193] : memref<8x16xf32, #tpu.memory_space<vmem>>[vector<16xi32>, vector<16xi32>], vector<16xf32>,
      tpu.vector_store_idx %arg14[%add3A_45, %broadcast_in_dim3A_193], %gather3A_194 : memref<512x16xf32, #tpu.memory_space<vmem>>[vector<16xi32>, vector<16xi32>], vector<16xf32>,
      %gather3A_195 = tpu.vector_load_idx %arg12[%get3A_43, %broadcast_in_dim3A_193] : memref<48x16xf32, #tpu.memory_space<vmem>>[vector<16xi32>, vector<16xi32>], vector<16xf32>,
      tpu.vector_store_idx %arg15[%add3A_45, %broadcast_in_dim3A_193], %gather3A_195 : memref<512x16xf32, #tpu.memory_space<vmem>>[vector<16xi32>, vector<16xi32>], vector<16xf32>,
      %broadcast_in_dim3A_196 = arith.constant 14 : i32
      %broadcast_in_dim3A_197 = vector.broadcast %broadcast_in_dim3A_196 : i32 to vector<16xi32>
      %gather3A_198 = tpu.vector_load_idx %arg11[%get3A_41, %broadcast_in_dim3A_197] : memref<8x16xf32, #tpu.memory_space<vmem>>[vector<16xi32>, vector<16xi32>], vector<16xf32>,
      tpu.vector_store_idx %arg14[%add3A_45, %broadcast_in_dim3A_197], %gather3A_198 : memref<512x16xf32, #tpu.memory_space<vmem>>[vector<16xi32>, vector<16xi32>], vector<16xf32>,
      %gather3A_199 = tpu.vector_load_idx %arg12[%get3A_43, %broadcast_in_dim3A_197] : memref<48x16xf32, #tpu.memory_space<vmem>>[vector<16xi32>, vector<16xi32>], vector<16xf32>,
      tpu.vector_store_idx %arg15[%add3A_45, %broadcast_in_dim3A_197], %gather3A_199 : memref<512x16xf32, #tpu.memory_space<vmem>>[vector<16xi32>, vector<16xi32>], vector<16xf32>,
      %broadcast_in_dim3A_200 = arith.constant 15 : i32
      %broadcast_in_dim3A_201 = vector.broadcast %broadcast_in_dim3A_200 : i32 to vector<16xi32>
      %gather3A_202 = tpu.vector_load_idx %arg11[%get3A_41, %broadcast_in_dim3A_201] : memref<8x16xf32, #tpu.memory_space<vmem>>[vector<16xi32>, vector<16xi32>], vector<16xf32>,
      tpu.vector_store_idx %arg14[%add3A_45, %broadcast_in_dim3A_201], %gather3A_202 : memref<512x16xf32, #tpu.memory_space<vmem>>[vector<16xi32>, vector<16xi32>], vector<16xf32>,
      %gather3A_203 = tpu.vector_load_idx %arg12[%get3A_43, %broadcast_in_dim3A_201] : memref<48x16xf32, #tpu.memory_space<vmem>>[vector<16xi32>, vector<16xi32>], vector<16xf32>,
      tpu.vector_store_idx %arg15[%add3A_45, %broadcast_in_dim3A_201], %gather3A_203 : memref<512x16xf32, #tpu.memory_space<vmem>>[vector<16xi32>, vector<16xi32>], vector<16xf32>,
    }
    %scan3A_13 = arith.constant 32 : i32
    %dma_start3A = arith.constant 0 : i32
    %dma_start3A_14 = tpu.memref_slice %arg6[%mul3A_2, %dma_start3A] : memref<16384x128xf32, #tpu.memory_space<hbm>> -> memref<512x32xf32, #tpu.memory_space<hbm>>
    %dma_start3A_15 = arith.constant 0 : i32
    %dma_start3A_16 = tpu.memref_slice %arg6[%mul3A_2, %dma_start3A_15] : memref<16384x128xf32, #tpu.memory_space<hbm>> -> memref<512x32xf32, #tpu.memory_space<hbm>>
    tpu.enqueue_dma source(%arg13 : memref<512x32xf32, #tpu.memory_space<vmem>>) target(%dma_start3A_16 : memref<512x32xf32, #tpu.memory_space<hbm>>) target_semaphore(%arg17 : memref<!tpu.dma_semaphore, #tpu.memory_space<semaphore_mem>>)
    %dma_start3A_17 = arith.constant 32 : i32
    %dma_start3A_18 = tpu.memref_slice %arg6[%mul3A_2, %dma_start3A_17] : memref<16384x128xf32, #tpu.memory_space<hbm>> -> memref<512x16xf32, #tpu.memory_space<hbm>>
    %dma_start3A_19 = arith.constant 32 : i32
    %dma_start3A_20 = tpu.memref_slice %arg6[%mul3A_2, %dma_start3A_19] : memref<16384x128xf32, #tpu.memory_space<hbm>> -> memref<512x16xf32, #tpu.memory_space<hbm>>
    tpu.enqueue_dma source(%arg14 : memref<512x16xf32, #tpu.memory_space<vmem>>) target(%dma_start3A_20 : memref<512x16xf32, #tpu.memory_space<hbm>>) target_semaphore(%arg17 : memref<!tpu.dma_semaphore, #tpu.memory_space<semaphore_mem>>)
    %dma_start3A_21 = arith.constant 48 : i32
    %dma_start3A_22 = tpu.memref_slice %arg6[%mul3A_2, %dma_start3A_21] : memref<16384x128xf32, #tpu.memory_space<hbm>> -> memref<512x16xf32, #tpu.memory_space<hbm>>
    %dma_start3A_23 = arith.constant 48 : i32
    %dma_start3A_24 = tpu.memref_slice %arg6[%mul3A_2, %dma_start3A_23] : memref<16384x128xf32, #tpu.memory_space<hbm>> -> memref<512x16xf32, #tpu.memory_space<hbm>>
    tpu.enqueue_dma source(%arg15 : memref<512x16xf32, #tpu.memory_space<vmem>>) target(%dma_start3A_24 : memref<512x16xf32, #tpu.memory_space<hbm>>) target_semaphore(%arg17 : memref<!tpu.dma_semaphore, #tpu.memory_space<semaphore_mem>>)
    %dma_wait3A = arith.constant 0 : i32
    %dma_wait3A_25 = tpu.memref_slice %arg6[%mul3A_2, %dma_wait3A] : memref<16384x128xf32, #tpu.memory_space<hbm>> -> memref<512x32xf32, #tpu.memory_space<hbm>>
    %dma_wait3A_26 = arith.constant 0 : i32
    %dma_wait3A_27 = tpu.memref_slice %arg6[%mul3A_2, %dma_wait3A_26] : memref<16384x128xf32, #tpu.memory_space<hbm>> -> memref<512x32xf32, #tpu.memory_space<hbm>>
    tpu.wait_dma2 semaphore(%arg17 : memref<!tpu.dma_semaphore, #tpu.memory_space<semaphore_mem>>) src(%arg13 : memref<512x32xf32, #tpu.memory_space<vmem>>) dst(%dma_wait3A_27 : memref<512x32xf32, #tpu.memory_space<hbm>>)
    %dma_wait3A_28 = arith.constant 32 : i32
    %dma_wait3A_29 = tpu.memref_slice %arg6[%mul3A_2, %dma_wait3A_28] : memref<16384x128xf32, #tpu.memory_space<hbm>> -> memref<512x16xf32, #tpu.memory_space<hbm>>
    %dma_wait3A_30 = arith.constant 32 : i32
    %dma_wait3A_31 = tpu.memref_slice %arg6[%mul3A_2, %dma_wait3A_30] : memref<16384x128xf32, #tpu.memory_space<hbm>> -> memref<512x16xf32, #tpu.memory_space<hbm>>
    tpu.wait_dma2 semaphore(%arg17 : memref<!tpu.dma_semaphore, #tpu.memory_space<semaphore_mem>>) src(%arg14 : memref<512x16xf32, #tpu.memory_space<vmem>>) dst(%dma_wait3A_31 : memref<512x16xf32, #tpu.memory_space<hbm>>)
    %dma_wait3A_32 = arith.constant 48 : i32
    %dma_wait3A_33 = tpu.memref_slice %arg6[%mul3A_2, %dma_wait3A_32] : memref<16384x128xf32, #tpu.memory_space<hbm>> -> memref<512x16xf32, #tpu.memory_space<hbm>>
    %dma_wait3A_34 = arith.constant 48 : i32
    %dma_wait3A_35 = tpu.memref_slice %arg6[%mul3A_2, %dma_wait3A_34] : memref<16384x128xf32, #tpu.memory_space<hbm>> -> memref<512x16xf32, #tpu.memory_space<hbm>>
    tpu.wait_dma2 semaphore(%arg17 : memref<!tpu.dma_semaphore, #tpu.memory_space<semaphore_mem>>) src(%arg15 : memref<512x16xf32, #tpu.memory_space<vmem>>) dst(%dma_wait3A_35 : memref<512x16xf32, #tpu.memory_space<hbm>>)
    return
  }
}

module attributes {stable_mosaic.version = 14 : i64} {
  func.func @_mlp_body(%arg0: i32, %arg1: memref<2048x128xf32, #tpu.memory_space<vmem>>, %arg2: memref<2048x128xf32, #tpu.memory_space<vmem>>, %arg3: memref<2048x114xf32, #tpu.memory_space<vmem>>, %arg4: memref<64x256xf32, #tpu.memory_space<vmem>>, %arg5: memref<64x256xf32, #tpu.memory_space<vmem>>, %arg6: memref<114x256xf32, #tpu.memory_space<vmem>>, %arg7: memref<1x256xf32, #tpu.memory_space<vmem>>, %arg8: memref<1x256xf32, #tpu.memory_space<vmem>>, %arg9: memref<1x256xf32, #tpu.memory_space<vmem>>, %arg10: memref<256x128xf32, #tpu.memory_space<vmem>>, %arg11: memref<1x128xf32, #tpu.memory_space<vmem>>, %arg12: memref<1x128xf32, #tpu.memory_space<vmem>>, %arg13: memref<1x128xf32, #tpu.memory_space<vmem>>, %arg14: memref<2048x128xf32, #tpu.memory_space<vmem>>) attributes {dimension_semantics = [#tpu.dimension_semantics<arbitrary>], iteration_bounds = array<i64: 8>, scalar_prefetch = 0 : i64, scratch_operands = 0 : i64, tpu.core_type = #tpu.core_type<tc>, window_params = [{transform_indices = @transform_0, window_bounds = array<i64: 2048, 128>}, {transform_indices = @transform_1, window_bounds = array<i64: 2048, 128>}, {transform_indices = @transform_2, window_bounds = array<i64: 2048, 114>}, {pipeline_mode = #tpu.pipeline_mode<synchronous>, transform_indices = @transform_3, window_bounds = array<i64: 64, 256>}, {pipeline_mode = #tpu.pipeline_mode<synchronous>, transform_indices = @transform_4, window_bounds = array<i64: 64, 256>}, {pipeline_mode = #tpu.pipeline_mode<synchronous>, transform_indices = @transform_5, window_bounds = array<i64: 114, 256>}, {pipeline_mode = #tpu.pipeline_mode<synchronous>, transform_indices = @transform_6, window_bounds = array<i64: 1, 256>}, {pipeline_mode = #tpu.pipeline_mode<synchronous>, transform_indices = @transform_7, window_bounds = array<i64: 1, 256>}, {pipeline_mode = #tpu.pipeline_mode<synchronous>, transform_indices = @transform_8, window_bounds = array<i64: 1, 256>}, {pipeline_mode = #tpu.pipeline_mode<synchronous>, transform_indices = @transform_9, window_bounds = array<i64: 256, 128>}, {pipeline_mode = #tpu.pipeline_mode<synchronous>, transform_indices = @transform_10, window_bounds = array<i64: 1, 128>}, {pipeline_mode = #tpu.pipeline_mode<synchronous>, transform_indices = @transform_11, window_bounds = array<i64: 1, 128>}, {pipeline_mode = #tpu.pipeline_mode<synchronous>, transform_indices = @transform_12, window_bounds = array<i64: 1, 128>}, {transform_indices = @transform_13, window_bounds = array<i64: 2048, 128>}]} {
    %get3A = arith.constant 0 : index
    %get3A_0 = arith.constant 0 : index
    %get3A_1 = vector.load %arg1[%get3A, %get3A_0] : memref<2048x128xf32, #tpu.memory_space<vmem>>, vector<2048x64xf32>
    %get3A_2 = arith.constant 0 : index
    %get3A_3 = arith.constant 0 : index
    %get3A_4 = vector.load %arg4[%get3A_2, %get3A_3] : memref<64x256xf32, #tpu.memory_space<vmem>>, vector<64x256xf32>
    %dot_general3A = arith.constant dense<0.000000e+00> : vector<2048x256xf32>
    %dot_general3A_5 = tpu.matmul %get3A_1, %get3A_4, %dot_general3A {dimension_numbers = #tpu.dot_dimension_numbers<[1], [0], [0], [1], [0, 0, 1, 1], [], []>, transpose_lhs_hint = false} : vector<2048x64xf32>, vector<64x256xf32>, vector<2048x256xf32> -> vector<2048x256xf32>
    %get3A_6 = arith.constant 0 : index
    %get3A_7 = arith.constant 0 : index
    %get3A_8 = vector.load %arg2[%get3A_6, %get3A_7] : memref<2048x128xf32, #tpu.memory_space<vmem>>, vector<2048x64xf32>
    %get3A_9 = arith.constant 0 : index
    %get3A_10 = arith.constant 0 : index
    %get3A_11 = vector.load %arg5[%get3A_9, %get3A_10] : memref<64x256xf32, #tpu.memory_space<vmem>>, vector<64x256xf32>
    %dot_general3A_12 = arith.constant dense<0.000000e+00> : vector<2048x256xf32>
    %dot_general3A_13 = tpu.matmul %get3A_8, %get3A_11, %dot_general3A_12 {dimension_numbers = #tpu.dot_dimension_numbers<[1], [0], [0], [1], [0, 0, 1, 1], [], []>, transpose_lhs_hint = false} : vector<2048x64xf32>, vector<64x256xf32>, vector<2048x256xf32> -> vector<2048x256xf32>
    %add3A = arith.addf %dot_general3A_5, %dot_general3A_13 : vector<2048x256xf32>
    %get3A_14 = arith.constant 0 : index
    %get3A_15 = arith.constant 0 : index
    %get3A_16 = vector.load %arg3[%get3A_14, %get3A_15] : memref<2048x114xf32, #tpu.memory_space<vmem>>, vector<2048x114xf32>
    %get3A_17 = arith.constant 0 : index
    %get3A_18 = arith.constant 0 : index
    %get3A_19 = vector.load %arg6[%get3A_17, %get3A_18] : memref<114x256xf32, #tpu.memory_space<vmem>>, vector<114x256xf32>
    %dot_general3A_20 = arith.constant dense<0.000000e+00> : vector<2048x256xf32>
    %dot_general3A_21 = tpu.matmul %get3A_16, %get3A_19, %dot_general3A_20 {dimension_numbers = #tpu.dot_dimension_numbers<[1], [0], [0], [1], [0, 0, 1, 1], [], []>, transpose_lhs_hint = false} : vector<2048x114xf32>, vector<114x256xf32>, vector<2048x256xf32> -> vector<2048x256xf32>
    %add3A_22 = arith.addf %add3A, %dot_general3A_21 : vector<2048x256xf32>
    %get3A_23 = arith.constant 0 : index
    %get3A_24 = arith.constant 0 : index
    %get3A_25 = vector.load %arg7[%get3A_23, %get3A_24] : memref<1x256xf32, #tpu.memory_space<vmem>>, vector<1x256xf32>
    %add3A_26 = vector.broadcast %get3A_25 : vector<1x256xf32> to vector<2048x256xf32>
    %add3A_27 = arith.addf %add3A_22, %add3A_26 : vector<2048x256xf32>
    %reduce_sum3A = arith.constant dense<0.000000e+00> : vector<2048xf32>
    %reduce_sum3A_28 = vector.multi_reduction <add>, %add3A_27, %reduce_sum3A [1] : vector<2048x256xf32> to vector<2048xf32>
    %broadcast_in_dim3A = vector.shape_cast %reduce_sum3A_28 : vector<2048xf32> to vector<2048x1xf32>
    %div3A = arith.constant 2.560000e+02 : f32
    %div3A_29 = vector.broadcast %div3A : f32 to vector<2048x1xf32>
    %div3A_30 = arith.divf %broadcast_in_dim3A, %div3A_29 : vector<2048x1xf32>
    %sub3A = vector.broadcast %div3A_30 : vector<2048x1xf32> to vector<2048x256xf32>
    %sub3A_31 = arith.subf %add3A_27, %sub3A : vector<2048x256xf32>
    %sub3A_32 = vector.broadcast %div3A_30 : vector<2048x1xf32> to vector<2048x256xf32>
    %sub3A_33 = arith.subf %add3A_27, %sub3A_32 : vector<2048x256xf32>
    %mul3A = arith.mulf %sub3A_31, %sub3A_33 : vector<2048x256xf32>
    %reduce_sum3A_34 = arith.constant dense<0.000000e+00> : vector<2048xf32>
    %reduce_sum3A_35 = vector.multi_reduction <add>, %mul3A, %reduce_sum3A_34 [1] : vector<2048x256xf32> to vector<2048xf32>
    %broadcast_in_dim3A_36 = vector.shape_cast %reduce_sum3A_35 : vector<2048xf32> to vector<2048x1xf32>
    %div3A_37 = arith.constant 2.560000e+02 : f32
    %div3A_38 = vector.broadcast %div3A_37 : f32 to vector<2048x1xf32>
    %div3A_39 = arith.divf %broadcast_in_dim3A_36, %div3A_38 : vector<2048x1xf32>
    %sub3A_40 = vector.broadcast %div3A_30 : vector<2048x1xf32> to vector<2048x256xf32>
    %sub3A_41 = arith.subf %add3A_27, %sub3A_40 : vector<2048x256xf32>
    %add3A_42 = arith.constant 9.99999974E-6 : f32
    %add3A_43 = vector.broadcast %add3A_42 : f32 to vector<2048x1xf32>
    %add3A_44 = arith.addf %div3A_39, %add3A_43 : vector<2048x1xf32>
    %rsqrt3A = math.rsqrt %add3A_44 : vector<2048x1xf32>
    %mul3A_45 = vector.broadcast %rsqrt3A : vector<2048x1xf32> to vector<2048x256xf32>
    %mul3A_46 = arith.mulf %sub3A_41, %mul3A_45 : vector<2048x256xf32>
    %get3A_47 = arith.constant 0 : index
    %get3A_48 = arith.constant 0 : index
    %get3A_49 = vector.load %arg8[%get3A_47, %get3A_48] : memref<1x256xf32, #tpu.memory_space<vmem>>, vector<1x256xf32>
    %mul3A_50 = vector.broadcast %get3A_49 : vector<1x256xf32> to vector<2048x256xf32>
    %mul3A_51 = arith.mulf %mul3A_46, %mul3A_50 : vector<2048x256xf32>
    %get3A_52 = arith.constant 0 : index
    %get3A_53 = arith.constant 0 : index
    %get3A_54 = vector.load %arg9[%get3A_52, %get3A_53] : memref<1x256xf32, #tpu.memory_space<vmem>>, vector<1x256xf32>
    %add3A_55 = vector.broadcast %get3A_54 : vector<1x256xf32> to vector<2048x256xf32>
    %add3A_56 = arith.addf %mul3A_51, %add3A_55 : vector<2048x256xf32>
    %max3A = arith.constant 0.000000e+00 : f32
    %max3A_57 = vector.broadcast %max3A : f32 to vector<2048x256xf32>
    %max3A_58 = arith.maximumf %add3A_56, %max3A_57 : vector<2048x256xf32>
    %get3A_59 = arith.constant 0 : index
    %get3A_60 = arith.constant 0 : index
    %get3A_61 = vector.load %arg10[%get3A_59, %get3A_60] : memref<256x128xf32, #tpu.memory_space<vmem>>, vector<256x128xf32>
    %dot_general3A_62 = arith.constant dense<0.000000e+00> : vector<2048x128xf32>
    %dot_general3A_63 = tpu.matmul %max3A_58, %get3A_61, %dot_general3A_62 {dimension_numbers = #tpu.dot_dimension_numbers<[1], [0], [0], [1], [0, 0, 1, 1], [], []>, transpose_lhs_hint = false} : vector<2048x256xf32>, vector<256x128xf32>, vector<2048x128xf32> -> vector<2048x128xf32>
    %get3A_64 = arith.constant 0 : index
    %get3A_65 = arith.constant 0 : index
    %get3A_66 = vector.load %arg11[%get3A_64, %get3A_65] : memref<1x128xf32, #tpu.memory_space<vmem>>, vector<1x128xf32>
    %add3A_67 = vector.broadcast %get3A_66 : vector<1x128xf32> to vector<2048x128xf32>
    %add3A_68 = arith.addf %dot_general3A_63, %add3A_67 : vector<2048x128xf32>
    %reduce_sum3A_69 = arith.constant dense<0.000000e+00> : vector<2048xf32>
    %reduce_sum3A_70 = vector.multi_reduction <add>, %add3A_68, %reduce_sum3A_69 [1] : vector<2048x128xf32> to vector<2048xf32>
    %broadcast_in_dim3A_71 = vector.shape_cast %reduce_sum3A_70 : vector<2048xf32> to vector<2048x1xf32>
    %div3A_72 = arith.constant 1.280000e+02 : f32
    %div3A_73 = vector.broadcast %div3A_72 : f32 to vector<2048x1xf32>
    %div3A_74 = arith.divf %broadcast_in_dim3A_71, %div3A_73 : vector<2048x1xf32>
    %sub3A_75 = vector.broadcast %div3A_74 : vector<2048x1xf32> to vector<2048x128xf32>
    %sub3A_76 = arith.subf %add3A_68, %sub3A_75 : vector<2048x128xf32>
    %sub3A_77 = vector.broadcast %div3A_74 : vector<2048x1xf32> to vector<2048x128xf32>
    %sub3A_78 = arith.subf %add3A_68, %sub3A_77 : vector<2048x128xf32>
    %mul3A_79 = arith.mulf %sub3A_76, %sub3A_78 : vector<2048x128xf32>
    %reduce_sum3A_80 = arith.constant dense<0.000000e+00> : vector<2048xf32>
    %reduce_sum3A_81 = vector.multi_reduction <add>, %mul3A_79, %reduce_sum3A_80 [1] : vector<2048x128xf32> to vector<2048xf32>
    %broadcast_in_dim3A_82 = vector.shape_cast %reduce_sum3A_81 : vector<2048xf32> to vector<2048x1xf32>
    %div3A_83 = arith.constant 1.280000e+02 : f32
    %div3A_84 = vector.broadcast %div3A_83 : f32 to vector<2048x1xf32>
    %div3A_85 = arith.divf %broadcast_in_dim3A_82, %div3A_84 : vector<2048x1xf32>
    %sub3A_86 = vector.broadcast %div3A_74 : vector<2048x1xf32> to vector<2048x128xf32>
    %sub3A_87 = arith.subf %add3A_68, %sub3A_86 : vector<2048x128xf32>
    %add3A_88 = arith.constant 9.99999974E-6 : f32
    %add3A_89 = vector.broadcast %add3A_88 : f32 to vector<2048x1xf32>
    %add3A_90 = arith.addf %div3A_85, %add3A_89 : vector<2048x1xf32>
    %rsqrt3A_91 = math.rsqrt %add3A_90 : vector<2048x1xf32>
    %mul3A_92 = vector.broadcast %rsqrt3A_91 : vector<2048x1xf32> to vector<2048x128xf32>
    %mul3A_93 = arith.mulf %sub3A_87, %mul3A_92 : vector<2048x128xf32>
    %get3A_94 = arith.constant 0 : index
    %get3A_95 = arith.constant 0 : index
    %get3A_96 = vector.load %arg12[%get3A_94, %get3A_95] : memref<1x128xf32, #tpu.memory_space<vmem>>, vector<1x128xf32>
    %mul3A_97 = vector.broadcast %get3A_96 : vector<1x128xf32> to vector<2048x128xf32>
    %mul3A_98 = arith.mulf %mul3A_93, %mul3A_97 : vector<2048x128xf32>
    %get3A_99 = arith.constant 0 : index
    %get3A_100 = arith.constant 0 : index
    %get3A_101 = vector.load %arg13[%get3A_99, %get3A_100] : memref<1x128xf32, #tpu.memory_space<vmem>>, vector<1x128xf32>
    %add3A_102 = vector.broadcast %get3A_101 : vector<1x128xf32> to vector<2048x128xf32>
    %add3A_103 = arith.addf %mul3A_98, %add3A_102 : vector<2048x128xf32>
    %swap3A = arith.constant 0 : index
    %swap3A_104 = arith.constant 0 : index
    %swap3A_105 = vector.load %arg14[%swap3A, %swap3A_104] : memref<2048x128xf32, #tpu.memory_space<vmem>>, vector<2048x128xf32>
    tpu.vector_store %arg14[%swap3A, %swap3A_104], %add3A_103 {strides = array<i32>} : memref<2048x128xf32, #tpu.memory_space<vmem>>, vector<2048x128xf32>,
    return
  }
  func.func @transform_0(%arg0: i32) -> (i32, i32) {
    %c0_i32 = arith.constant 0 : i32
    %c0_i32_0 = arith.constant 0 : i32
    return %arg0, %c0_i32 : i32, i32
  }
  func.func @transform_1(%arg0: i32) -> (i32, i32) {
    %c0_i32 = arith.constant 0 : i32
    %c0_i32_0 = arith.constant 0 : i32
    return %arg0, %c0_i32 : i32, i32
  }
  func.func @transform_2(%arg0: i32) -> (i32, i32) {
    %c0_i32 = arith.constant 0 : i32
    %c0_i32_0 = arith.constant 0 : i32
    return %arg0, %c0_i32 : i32, i32
  }
  func.func @transform_3(%arg0: i32) -> (i32, i32) {
    %c0_i32 = arith.constant 0 : i32
    %c0_i32_0 = arith.constant 0 : i32
    %c0_i32_1 = arith.constant 0 : i32
    return %c0_i32, %c0_i32_0 : i32, i32
  }
  func.func @transform_4(%arg0: i32) -> (i32, i32) {
    %c0_i32 = arith.constant 0 : i32
    %c0_i32_0 = arith.constant 0 : i32
    %c0_i32_1 = arith.constant 0 : i32
    return %c0_i32, %c0_i32_0 : i32, i32
  }
  func.func @transform_5(%arg0: i32) -> (i32, i32) {
    %c0_i32 = arith.constant 0 : i32
    %c0_i32_0 = arith.constant 0 : i32
    %c0_i32_1 = arith.constant 0 : i32
    return %c0_i32, %c0_i32_0 : i32, i32
  }
  func.func @transform_6(%arg0: i32) -> (i32, i32) {
    %c0_i32 = arith.constant 0 : i32
    %c0_i32_0 = arith.constant 0 : i32
    %c0_i32_1 = arith.constant 0 : i32
    return %c0_i32, %c0_i32_0 : i32, i32
  }
  func.func @transform_7(%arg0: i32) -> (i32, i32) {
    %c0_i32 = arith.constant 0 : i32
    %c0_i32_0 = arith.constant 0 : i32
    %c0_i32_1 = arith.constant 0 : i32
    return %c0_i32, %c0_i32_0 : i32, i32
  }
  func.func @transform_8(%arg0: i32) -> (i32, i32) {
    %c0_i32 = arith.constant 0 : i32
    %c0_i32_0 = arith.constant 0 : i32
    %c0_i32_1 = arith.constant 0 : i32
    return %c0_i32, %c0_i32_0 : i32, i32
  }
  func.func @transform_9(%arg0: i32) -> (i32, i32) {
    %c0_i32 = arith.constant 0 : i32
    %c0_i32_0 = arith.constant 0 : i32
    %c0_i32_1 = arith.constant 0 : i32
    return %c0_i32, %c0_i32_0 : i32, i32
  }
  func.func @transform_10(%arg0: i32) -> (i32, i32) {
    %c0_i32 = arith.constant 0 : i32
    %c0_i32_0 = arith.constant 0 : i32
    %c0_i32_1 = arith.constant 0 : i32
    return %c0_i32, %c0_i32_0 : i32, i32
  }
  func.func @transform_11(%arg0: i32) -> (i32, i32) {
    %c0_i32 = arith.constant 0 : i32
    %c0_i32_0 = arith.constant 0 : i32
    %c0_i32_1 = arith.constant 0 : i32
    return %c0_i32, %c0_i32_0 : i32, i32
  }
  func.func @transform_12(%arg0: i32) -> (i32, i32) {
    %c0_i32 = arith.constant 0 : i32
    %c0_i32_0 = arith.constant 0 : i32
    %c0_i32_1 = arith.constant 0 : i32
    return %c0_i32, %c0_i32_0 : i32, i32
  }
  func.func @transform_13(%arg0: i32) -> (i32, i32) {
    %c0_i32 = arith.constant 0 : i32
    %c0_i32_0 = arith.constant 0 : i32
    return %arg0, %c0_i32 : i32, i32
  }
}

</mosaic_0001>

<sc_bundles>
// kernel: kernel.5.cloned.1.call-start
scs
__scs_entry_jumppad:
0x0: {  	(pc) =	sbr.rel $0x88, $3  }
0x1: {  	(tag) =	ssettag $0x0;
	lr =	simm.s32 $0x1  }
0x2: {  	[smem:$0x3F94] =	sst lr;
	_ =	strace $0xD0000000  }
0x3: {  	_ = 	snop  }
0x4: {  	_ = 	snop  }
0x5: {  	_ = 	snop  }
0x6: {  	_ = 	snop  }
0x7: {  	_ = 	snop  }
__scs_overlays_trampoline_lowered:
0x8: {  	[smem:$0x3FA3] =	sst s0  }
0x9: {  	[smem:$0x3FA4] =	sst s1  }
0xa: {  	[smem:$0x3FA5] =	sst s2  }
0xb: {  	[smem:$0x3FA6] =	sst s3  }
0xc: {  	[smem:$0x3FA7] =	sst s4  }
0xd: {  	[smem:$0x3FA8] =	sst s5  }
0xe: {  	[smem:$0x3FA9] =	sst s6  }
0xf: {  	[smem:$0x3FAA] =	sst s7  }
0x10: {  	[smem:$0x3FAB] =	sst s8  }
0x11: {  	[smem:$0x3FAC] =	sst s9;
	s0 =	simm.s32 @!p0 $0x0  }
0x12: {  	s1 =	sld [smem:$0x3F92];
	s0 =	simm.s32 @p0 $0x1  }
0x13: {  	[smem:$0x3FAD] =	sst s0;
	s0 =	simm.s32 @!p1 $0x0  }
0x14: {  	s2 =	sld [smem:$0x3F91];
	s0 =	simm.s32 @p1 $0x1  }
0x15: {  	[smem:$0x3FAE] =	sst s0;
	s0 =	simm.s32 @!p2 $0x0  }
0x16: {  	s3 =	sld [smem:$0x3FDB];
	s0 =	simm.s32 @p2 $0x1  }
0x17: {  	s4 =	simm.s32 $0x1BF5;
	[smem:$0x3FB0] =	sst s0  }
0x18: {  	s0 =	sld [smem:$0x3F93];
	_ =	swait.ge [sflag:s4], $0x0  }
0x19: {  	s7 =	sld [smem:$0x3F94]  }
0x1a: {  	s8 =	sadd.s32 $0xFFFFE003, lr  }
0x1b: {  	s9 =	sadd.s32 $0xFFFFFEF7, lr;
	s5 =	simm.s32 $0xFFFFFFFF;
	p2 =	slt.u32 s8, $0xFFFFF086  }
0x1c: {  	p1 =	slt.u32 s9, $0xF7A;
	s5 =	simm.s32 @!p2 $0x0  }
0x1d: {  	s5 =	simm.s32 @p1 $0x1;
	p0 =	seq.s32 s7, s2  }
0x1e: {  	s7 =	smul.u32 @!p0 $0xF7A, s2;
	p2 =	seq.s32 @!p0 s5, $0x0  }
0x1f: {  	s9 =	smul.u32 $0xF7A, s1;
	s8 =	simm.s32 @!p0 $0x1BF5;
	p2 =	por !p2, p0  }
0x20: {  	[sflag:s8] =	ssyncset.s32 @!p0 $0xFFFFF086;
	s6 =	sadd.s32 @!p0 s3, s7;
	s7 =	simm.s32 @!p0 $0x108  }
0x21: {  	s3 =	sadd.s32 s3, s9;
	s6 =	sadd.s32 @!p0 $0x88, s6;
	s7 =	simm.s32 @p2 $0x1082  }
0x22: {  	[simem:s7], [sflag:s8] =	dma.local @!p0 [hbm:s6], $0xF7A  }
0x23: {  	s9 =	sor.u32 $0xD0000000, s2;
	s6 =	simm.s32 $0x108;
	_ =	swait.ge @!p0 [sflag:s8], $0x0  }
0x24: {  	s3 =	sadd.s32 $0x88, s3;
	s6 =	simm.s32 @!p1 $0x1082;
	[sflag:s4] =	ssyncset.s32 $0xFFFFF086  }
0x25: {  	[simem:s6], [sflag:s4] =	dma.local [hbm:s3], $0xF7A  }
0x26: {  	[smem:$0x3F94] =	sst s1;
	(tag) =	ssettag s2;
	_ =	strace s9  }
0x27: {  	s1 =	sld [smem:$0x3FA4]  }
0x28: {  	s2 =	sld [smem:$0x3FA5]  }
0x29: {  	s4 =	sld [smem:$0x3FA7]  }
0x2a: {  	p0 =	seq.s32 s5, $0x0;
	s5 =	sld [smem:$0x3FA8]  }
0x2b: {  	s6 =	sld [smem:$0x3FA9]  }
0x2c: {  	s7 =	sld [smem:$0x3FAA]  }
0x2d: {  	s3 =	simm.s32 $0x108;
	s8 =	sld [smem:$0x3FAB]  }
0x2e: {  	s3 =	simm.s32 @!p0 $0x1082;
	s9 =	sld [smem:$0x3FAC]  }
0x2f: {  	lr =	sadd.s32 s0, s3;
	s0 =	sld [smem:$0x3FA3]  }
0x30: {  	s3 =	sld [smem:$0x3FA6]  }
0x31: {  	[smem:$0x3FAF] =	sst s10  }
0x32: {  	s10 =	sld [smem:$0x3FAD];
	_ =	sdelay $0x3  }
0x33: {  	p0 =	seq.s32 s10, $0x1;
	s10 =	sld [smem:$0x3FAF];
	_ =	sdelay $0x3  }
0x34: {  	[smem:$0x3FAF] =	sst s10  }
0x35: {  	s10 =	sld [smem:$0x3FAE];
	_ =	sdelay $0x3  }
0x36: {  	p1 =	seq.s32 s10, $0x1;
	s10 =	sld [smem:$0x3FAF];
	_ =	sdelay $0x3  }
0x37: {  	[smem:$0x3FAF] =	sst s10  }
0x38: {  	s10 =	sld [smem:$0x3FB0]  }
0x39: {  	_ = 	snop;
	(pc) =	sbr.ind lr, $3  }
0x3a: {  	_ = 	snop  }
0x3b: {  	_ = 	snop  }
0x3c: {  	p2 =	seq.s32 s10, $0x1;
	s10 =	sld [smem:$0x3FAF]  }
0x3d: {  	_ =	shalt  }
0x3e: {  	_ =	shalt  }
0x3f: {  	_ =	shalt  }
0x40: {  	_ =	shalt  }
0x41: {  	_ =	shalt  }
0x42: {  	_ =	shalt  }
0x43: {  	_ =	shalt  }
0x44: {  	_ =	shalt  }
0x45: {  	_ =	shalt  }
0x46: {  	_ =	shalt  }
0x47: {  	_ =	shalt  }
0x48: {  	_ =	shalt  }
0x49: {  	_ =	shalt  }
0x4a: {  	_ =	shalt  }
0x4b: {  	_ =	shalt  }
0x4c: {  	_ =	shalt  }
0x4d: {  	_ =	shalt  }
0x4e: {  	_ =	shalt  }
0x4f: {  	_ =	shalt  }
0x50: {  	_ =	shalt  }
0x51: {  	_ =	shalt  }
0x52: {  	_ =	shalt  }
0x53: {  	_ =	shalt  }
0x54: {  	_ =	shalt  }
0x55: {  	_ =	shalt  }
0x56: {  	_ =	shalt  }
0x57: {  	_ =	shalt  }
0x58: {  	_ =	shalt  }
0x59: {  	_ =	shalt  }
0x5a: {  	_ =	shalt  }
0x5b: {  	_ =	shalt  }
0x5c: {  	_ =	shalt  }
0x5d: {  	_ =	shalt  }
0x5e: {  	_ =	shalt  }
0x5f: {  	_ =	shalt  }
0x60: {  	_ =	shalt  }
0x61: {  	_ =	shalt  }
0x62: {  	_ =	shalt  }
0x63: {  	_ =	shalt  }
0x64: {  	_ =	shalt  }
0x65: {  	_ =	shalt  }
0x66: {  	_ =	shalt  }
0x67: {  	_ =	shalt  }
0x68: {  	_ =	shalt  }
0x69: {  	_ =	shalt  }
0x6a: {  	_ =	shalt  }
0x6b: {  	_ =	shalt  }
0x6c: {  	_ =	shalt  }
0x6d: {  	_ =	shalt  }
0x6e: {  	_ =	shalt  }
0x6f: {  	_ =	shalt  }
0x70: {  	_ =	shalt  }
0x71: {  	_ =	shalt  }
0x72: {  	_ =	shalt  }
0x73: {  	_ =	shalt  }
0x74: {  	_ =	shalt  }
0x75: {  	_ =	shalt  }
0x76: {  	_ =	shalt  }
0x77: {  	_ =	shalt  }
0x78: {  	_ =	shalt  }
0x79: {  	_ =	shalt  }
0x7a: {  	_ =	shalt  }
0x7b: {  	_ =	shalt  }
0x7c: {  	_ =	shalt  }
0x7d: {  	_ =	shalt  }
0x7e: {  	_ =	shalt  }
0x7f: {  	_ =	shalt  }
0x80: {  	_ =	shalt  }
0x81: {  	_ =	shalt  }
0x82: {  	_ =	shalt  }
0x83: {  	_ =	shalt  }
0x84: {  	_ =	shalt  }
0x85: {  	_ =	shalt  }
0x86: {  	_ =	shalt  }
0x87: {  	_ =	shalt  }
.Lfunc_end0:
.L_simem_size_0:
called_computation_lowered:
.L_overlay_start_0:
0x88: {  	s2 =	sld [smem:$0x3FD9]  }
0x89: {  	s3 =	sld [smem:$0x3FFE];
	_ =	sdelay $0x1  }
0x8a: {  	s1 =	srdreg.scid  }
0x8b: {  	s0 =	sand.u32 $0x1, s1  }
0x8c: {  	s17 =	sshll.u32 s0, $0xA;
	s2 =	sadd.s32 s3, s2  }
0x8d: {  	s2 =	sadd.s32 s2, s17  }
0x8e: {  	[smem:$0x3FBB] =	sst s2  }
0x8f: {  	_ = 	snop  }
0x90: {  	s18 =	sld [smem:$0x3FD0];
	(tm) =	ssettm $0x1  }
0x91: {  	s19 =	sld [smem:$0x3FFB];
	_ =	sdelay $0x3  }
0x92: {  	_ =	strace s19  }
0x93: {  	s2 =	sld [smem:$0x3FFC];
	_ =	sdelay $0x3  }
0x94: {  	_ =	strace s2  }
0x95: {  	s2 =	sld [smem:$0x3FFD];
	_ =	sdelay $0x3  }
0x96: {  	_ =	strace s2  }
0x97: {  	_ =	strace $0x8FFFFFFF  }
0x98: {  	s20 =	sld [smem:$0x3FDB];
	_ =	sdelay $0x1  }
0x99: {  	s4 =	simm.s32 $_scs_section_size  }
0x9a: {  	s5 =	simm.s32 $_size__tile_overlayer_lowered;
	s6 =	simm.s32 $_tile_overlayer_lowered  }
0x9b: {  	s7 =	simm.s32 $0x1BFF;
	s21 =	sshll.u32 s6, $0x1;
	s4 =	sadd.s32 s4, s20  }
0x9c: {  	s22 =	simm.s32 $0x0;
	s5 =	sshll.u32 s5, $0x1;
	s6 =	sadd.s32 s21, s4  }
0x9d: {  	[timem:s22], [sflag:s7] =	dma.local [hbm:s6], s5  }
0x9e: {  	_ =	swait.ge [sflag:s7], s5  }
0x9f: {  	s5 =	ssub.s32 $0x0, s5;
	[sflag:s7] =	ssyncset.done $0x0  }
0xa0: {  	[sflag:s7] =	ssyncadd.s32 s5;
	_ =	sdelay $0x1  }
0xa1: {  	s23 =	simm.s32 $0x1B8B  }
0xa2: {  	_ =	swait.ge [sflag:s23], $0x1  }
0xa3: {  	[sflag:s23] =	ssyncset.done $0x0  }
0xa4: {  	[sflag:s23] =	ssyncadd.s32 $0xFFFFFFFF  }
0xa5: {  	s5 =	sld [smem:$0x0]  }
0xa6: {  	s6 =	sand.u32 $0xFFFFFFFE, s1  }
0xa7: {  	p0 =	sne.s32 s1, s6  }
0xa8: {  	s6 =	sshll.u32 @p0 s6, $0xE  }
0xa9: {  	s6 =	sadd.s32 @p0 $0x11B8D, s6;
	s7 =	sshll.u32 @p0 s5, $0x11  }
0xaa: {  	s6 =	sor.u32 @p0 s7, s6  }
0xab: {  	[sflag:s6] =	ssyncadd.remote.s32 @p0 $0x1;
	_ =	sdelay $0x1  }
0xac: {  	s6 =	simm.s32 @p0 $0x1B8D  }
0xad: {  	_ =	swait.eq @p0 [sflag:s6], $0x1  }
0xae: {  	[sflag:s6] =	ssyncadd.s32 @p0 $0xFFFFFFFF  }
0xaf: {  	s7 =	sshll.u32 @!p0 s1, $0xE  }
0xb0: {  	s7 =	sor.u32 @!p0 $0x4000, s7;
	s6 =	simm.s32 @!p0 $0x1B8D  }
0xb1: {  	s5 =	sshll.u32 @!p0 s5, $0x11;
	s7 =	sadd.s32 @!p0 $0x11B8D, s7;
	_ =	swait.eq @!p0 [sflag:s6], $0x1  }
0xb2: {  	s5 =	sor.u32 @!p0 s5, s7;
	[sflag:s6] =	ssyncadd.s32 @!p0 $0xFFFFFFFF  }
0xb3: {  	s25 =	simm.s32 $0x1B8E;
	s24 =	sld [smem:$0x3FFE];
	[sflag:s5] =	ssyncadd.remote.s32 @!p0 $0x1  }
0xb4: {  	s26 =	simm.s32 $execute0_lowered;
	[smem:$0x3FD2] =	sst s25  }
0xb5: {  	s6 =	sshll.u32 s26, $0x1;
	_ =	strace $0x80000049;
	[dreg:$0x1] =	wrdreg $0xFFFFFFFF  }
0xb6: {  	s28 =	simm.s32 $_size_execute0_lowered;
	s4 =	sadd.s32 s4, s6;
	[dreg:$0x0] =	wrdreg $0x0  }
0xb7: {  	s6 =	sshll.u32 s28, $0x1;
	[dreg:$0x2] =	wrdreg s4  }
0xb8: {  	[dreg:$0x3] =	wrdreg s6  }
0xb9: {  	[dreg:$0x4] =	wrdreg $0xC0  }
0xba: {  	_ =	task [dreg:s22], $0x5FFFF  }
0xbb: {  	[dreg:$0x1] =	wrdreg $0xFFFFFFFF  }
0xbc: {  	[dreg:$0x0] =	wrdreg $0x60  }
0xbd: {  	[dreg:$0x2] =	wrdreg s24  }
0xbe: {  	[dreg:$0x3] =	wrdreg s18  }
0xbf: {  	[dreg:$0x4] =	wrdreg $0x9  }
0xc0: {  	_ =	task.clear_ibuf [dreg:s22], $0x5FFFF;
	_ =	strace $0x90000049  }
0xc1: {  	s29 =	simm.s32 $0x9;
	_ =	strace $0x8000004B  }
0xc2: {  	_ =	swait.ge [sflag:s29], $0x1  }
0xc3: {  	[sflag:s29] =	ssyncadd.s32 $0xFFFFFFFF  }
0xc4: {  	_ =	strace $0x9000004B  }
0xc5: {  	_ =	sfence  }
0xc6: {  	s30 =	sld [smem:$0x0];
	_ =	sdelay $0x2  }
0xc7: {  	s31 =	sshll.u32 s1, $0xD;
	s1 =	sshrl.u32 s1, $0x2  }
0xc8: {  	s4 =	sand.u32 $0x4000, s31;
	s1 =	sadd.s32 s1, s30  }
0xc9: {  	s0 =	sor.u32 s4, s0;
	s1 =	sshll.u32 s1, $0x11  }
0xca: {  	s0 =	sor.u32 s1, s0  }
0xcb: {  	s0 =	sadd.s32 $0x8F2B, s0  }
0xcc: {  	[sflag:s0] =	ssyncadd.remote.s32 $0x1  }
0xcd: {  	_ =	sfence.sel $0xFFFF  }
0xce: {  	[dreg:$0x0] =	wrdreg $0xFFFFFFFF;
	(pc) =	sbr.abs _section_cstart, $3  }
0xcf: {  	[dreg:$0x1] =	wrdreg $0xFFFFFFFF  }
0xd0: {  	_ =	task.clear_ibuf [dreg:s22], $0x2FFFF;
	_ =	strace $0x9FFFFFFF  }
0xd1: {  	(tm) =	ssettm $0x7FFFFFFF  }
tec
execute0_lowered:
.L_overlay_start_1:
0x0: {  	(tag) =	ssettag $0x1  }
0x1: {  	s6 =	rddreg [dreg:$0x0]  }
0x2: {  	s7 =	rddreg [dreg:$0x1]  }
0x3: {  	s0 =	rddreg [dreg:$0x2];
	s2 =	simm.s32 $0x0;
	s3 =	srdreg.scid  }
0x4: {  	s1 =	stileid.u32;
	s13 =	simm.s32 $0x600;
	s14 =	simm.s32 $0x8300  }
0x5: {  	s15 =	simm.s32 $0x8380;
	s16 =	simm.s32 $0x3;
	s17 =	simm.s32 $0x1  }
0x6: {  	s18 =	simm.s32 $0x8680;
	s19 =	simm.s32 $0xC680;
	s20 =	simm.s32 $0xE680  }
0x7: {  	s21 =	simm.s32 $0x20;
	s22 =	simm.s32 $0x80;
	s23 =	simm.s32 $0x10  }
0x8: {  	s24 =	simm.s32 $0x2;
	s25 =	simm.s32 $0x0;
	[smem:$0x7FF] =	sst s2  }
0x9: {  	s8 =	sand.u32 $0x1, s3;
	s5 =	sshll.u32 s1, $0xA;
	s3 =	sadd.s32 $0x45200, s6  }
0xa: {  	s4 =	sadd.s32 $0x46200, s6;
	_ =	strace $0x8000004A;
	s9 =	sshll.u32 s8, $0x9  }
0xb: {  	s8 =	ssub.s32 $0x2, s8;
	s9 =	sor.u32 s9, s5;
	s5 =	sadd.s32 $0x46400, s6  }
0xc: {  	s31 =	sshrl.u32 s8, $0x1;
	s10 =	sshrl.u32 s9, $0x3;
	s9 =	sshll.u32 s9, $0x4  }
0xd: {  	s12 =	ssub.s32 s8, s31;
	s10 =	sadd.s32 s10, s6;
	s7 =	sadd.s32 s7, s9  }
0xe: {  	s12 =	smax.u32 s12, $0x1;
	s6 =	sadd.s32 $0x3A00, s10;
	s8 =	sadd.s32 $0x4200, s10  }
0xf: {  	v0 =	vlaneseq.u32;
	s9 =	sadd.s32 $0x4A00, s10;
	s10 =	sadd.s32 $0x4, s7;
	s11 =	sadd.s32 $0x6, s7  }
.LBB2_1:
0x10: {  	[tilespmem:s13], [sflag:$0x1] =	stream.linear.gather [hbm4b:s3+s2], $0x7D00, $0x38;
	[tilespmem:$0x10680] =	vst v63  }
0x11: {  	_ = 	snop  }
0x12: {  	[tilespmem:s14], [sflag:$0x1] =	stream.linear.gather [hbm4b:s4+s2], $0x80, $0x38;
	[tilespmem:$0x10680] =	vst v63  }
0x13: {  	_ = 	snop  }
0x14: {  	[tilespmem:s15], [sflag:$0x1] =	stream.linear.gather [hbm4b:s5+s2], $0x300, $0x38;
	[tilespmem:$0x10680] =	vst v63  }
0x15: {  	_ = 	snop  }
0x16: {  	[tilespmem:s2], [sflag:$0x3] =	stream.linear.gather [hbm4b:s6+s2], $0x200, $0x38;
	[tilespmem:$0x10680] =	vst v63  }
0x17: {  	_ =	swait.ge [sflag:s16], $0x200  }
0x18: {  	[sflag:s16] =	ssyncset.done $0x0  }
0x19: {  	s26 =	simm.s32 $0x200;
	[sflag:s16] =	ssyncadd.s32 $0xFFFFFE00  }
0x1a: {  	[tilespmem:s26], [sflag:$0x3] =	stream.linear.gather [hbm4b:s8+s2], $0x200, $0x38;
	[tilespmem:$0x10680] =	vst v63  }
0x1b: {  	_ =	swait.ge [sflag:s16], $0x200  }
0x1c: {  	[sflag:s16] =	ssyncset.done $0x0  }
0x1d: {  	s28 =	simm.s32 $0x400;
	[sflag:s16] =	ssyncadd.s32 $0xFFFFFE00  }
0x1e: {  	[tilespmem:s28], [sflag:$0x3] =	stream.linear.gather [hbm4b:s9+s2], $0x200, $0x38;
	[tilespmem:$0x10680] =	vst v63  }
0x1f: {  	_ =	swait.ge [sflag:s16], $0x200  }
0x20: {  	[sflag:s16] =	ssyncset.done $0x0  }
0x21: {  	[sflag:s16] =	ssyncadd.s32 $0xFFFFFE00  }
0x22: {  	_ =	swait.ge [sflag:s17], $0x7D00  }
0x23: {  	[sflag:s17] =	ssyncset.done $0x0  }
0x24: {  	[sflag:s17] =	ssyncadd.s32 $0xFFFF8300  }
0x25: {  	_ =	swait.ge [sflag:s17], $0x80  }
0x26: {  	[sflag:s17] =	ssyncset.done $0x0  }
0x27: {  	[sflag:s17] =	ssyncadd.s32 $0xFFFFFF80  }
0x28: {  	_ =	swait.ge [sflag:s17], $0x300  }
0x29: {  	[sflag:s17] =	ssyncset.done $0x0  }
0x2a: {  	s29 =	simm.s32 $0x0;
	s30 =	simm.s32 $0x0;
	[sflag:s17] =	ssyncadd.s32 $0xFFFFFD00  }
.LBB2_2:
0x2b: {  	v1 =	vld [tilespmem:s29+$0x0];
	_ =	sdelay $0x4  }
0x2c: {  	v2 =	vshll.u32 v1, $0x5;
	_ =	sdelay $0x3  }
0x2d: {  	v1 =	vor.u32 s30, v0  }
0x2e: {  	v4 =	vshll.u32 v1, $0x5;
	v3 =	vld.idx.msk [tilespmem:v2+s13+$0x0], $0xffff  }
0x2f: {  	v5 =	vor.u32 $0x1, v2;
	_ =	sdelay $0x2  }
0x30: {  	v6 =	vld [tilespmem:s26+$0x0]  }
0x31: {  	v7 =	vld [tilespmem:s28+$0x0];
	[tilespmem:v4+s18+$0x0] =	vst.idx.msk $0xffff, v3  }
0x32: {  	v15 =	vor.u32 $0x1, v4;
	v3 =	vld.idx.msk [tilespmem:v5+s13+$0x0], $0xffff  }
0x33: {  	v8 =	vor.u32 $0x2, v2;
	_ =	sdelay $0x3  }
0x34: {  	[tilespmem:v15+s18+$0x0] =	vst.idx.msk $0xffff, v3  }
0x35: {  	v16 =	vor.u32 $0x2, v4;
	v3 =	vld.idx.msk [tilespmem:v8+s13+$0x0], $0xffff  }
0x36: {  	v17 =	vor.u32 $0x3, v2;
	_ =	sdelay $0x3  }
0x37: {  	[tilespmem:v16+s18+$0x0] =	vst.idx.msk $0xffff, v3  }
0x38: {  	v18 =	vor.u32 $0x3, v4;
	v3 =	vld.idx.msk [tilespmem:v17+s13+$0x0], $0xffff  }
0x39: {  	v19 =	vor.u32 $0x4, v2;
	_ =	sdelay $0x3  }
0x3a: {  	[tilespmem:v18+s18+$0x0] =	vst.idx.msk $0xffff, v3  }
0x3b: {  	v20 =	vor.u32 $0x4, v4;
	v3 =	vld.idx.msk [tilespmem:v19+s13+$0x0], $0xffff  }
0x3c: {  	v21 =	vor.u32 $0x5, v2;
	_ =	sdelay $0x3  }
0x3d: {  	[tilespmem:v20+s18+$0x0] =	vst.idx.msk $0xffff, v3  }
0x3e: {  	v22 =	vor.u32 $0x5, v4;
	v3 =	vld.idx.msk [tilespmem:v21+s13+$0x0], $0xffff  }
0x3f: {  	v23 =	vor.u32 $0x6, v2;
	_ =	sdelay $0x3  }
0x40: {  	[tilespmem:v22+s18+$0x0] =	vst.idx.msk $0xffff, v3  }
0x41: {  	v24 =	vor.u32 $0x6, v4;
	v3 =	vld.idx.msk [tilespmem:v23+s13+$0x0], $0xffff  }
0x42: {  	v25 =	vor.u32 $0x7, v2;
	_ =	sdelay $0x3  }
0x43: {  	[tilespmem:v24+s18+$0x0] =	vst.idx.msk $0xffff, v3  }
0x44: {  	v26 =	vor.u32 $0x7, v4;
	v3 =	vld.idx.msk [tilespmem:v25+s13+$0x0], $0xffff  }
0x45: {  	v27 =	vor.u32 $0x8, v2;
	_ =	sdelay $0x3  }
0x46: {  	[tilespmem:v26+s18+$0x0] =	vst.idx.msk $0xffff, v3  }
0x47: {  	v28 =	vor.u32 $0x8, v4;
	v3 =	vld.idx.msk [tilespmem:v27+s13+$0x0], $0xffff  }
0x48: {  	v29 =	vor.u32 $0x9, v2;
	_ =	sdelay $0x3  }
0x49: {  	[tilespmem:v28+s18+$0x0] =	vst.idx.msk $0xffff, v3  }
0x4a: {  	v30 =	vor.u32 $0x9, v4;
	v3 =	vld.idx.msk [tilespmem:v29+s13+$0x0], $0xffff  }
0x4b: {  	v31 =	vor.u32 $0xA, v2;
	_ =	sdelay $0x3  }
0x4c: {  	[tilespmem:v30+s18+$0x0] =	vst.idx.msk $0xffff, v3  }
0x4d: {  	v32 =	vor.u32 $0xA, v4;
	v3 =	vld.idx.msk [tilespmem:v31+s13+$0x0], $0xffff  }
0x4e: {  	v33 =	vor.u32 $0xB, v2;
	_ =	sdelay $0x3  }
0x4f: {  	[tilespmem:v32+s18+$0x0] =	vst.idx.msk $0xffff, v3  }
0x50: {  	v34 =	vor.u32 $0xB, v4;
	v3 =	vld.idx.msk [tilespmem:v33+s13+$0x0], $0xffff  }
0x51: {  	v35 =	vor.u32 $0xC, v2;
	_ =	sdelay $0x3  }
0x52: {  	[tilespmem:v34+s18+$0x0] =	vst.idx.msk $0xffff, v3  }
0x53: {  	v36 =	vor.u32 $0xC, v4;
	v3 =	vld.idx.msk [tilespmem:v35+s13+$0x0], $0xffff  }
0x54: {  	v37 =	vor.u32 $0xD, v2;
	_ =	sdelay $0x3  }
0x55: {  	[tilespmem:v36+s18+$0x0] =	vst.idx.msk $0xffff, v3  }
0x56: {  	v38 =	vor.u32 $0xD, v4;
	v3 =	vld.idx.msk [tilespmem:v37+s13+$0x0], $0xffff  }
0x57: {  	v39 =	vor.u32 $0xE, v2;
	_ =	sdelay $0x3  }
0x58: {  	[tilespmem:v38+s18+$0x0] =	vst.idx.msk $0xffff, v3  }
0x59: {  	v40 =	vor.u32 $0xE, v4;
	v3 =	vld.idx.msk [tilespmem:v39+s13+$0x0], $0xffff  }
0x5a: {  	v41 =	vor.u32 $0xF, v2;
	_ =	sdelay $0x3  }
0x5b: {  	[tilespmem:v40+s18+$0x0] =	vst.idx.msk $0xffff, v3  }
0x5c: {  	v42 =	vor.u32 $0xF, v4;
	v3 =	vld.idx.msk [tilespmem:v41+s13+$0x0], $0xffff  }
0x5d: {  	v43 =	vor.u32 $0x10, v2;
	_ =	sdelay $0x3  }
0x5e: {  	[tilespmem:v42+s18+$0x0] =	vst.idx.msk $0xffff, v3  }
0x5f: {  	v44 =	vor.u32 $0x10, v4;
	v3 =	vld.idx.msk [tilespmem:v43+s13+$0x0], $0xffff  }
0x60: {  	v45 =	vor.u32 $0x11, v2;
	_ =	sdelay $0x3  }
0x61: {  	[tilespmem:v44+s18+$0x0] =	vst.idx.msk $0xffff, v3  }
0x62: {  	v46 =	vor.u32 $0x11, v4;
	v3 =	vld.idx.msk [tilespmem:v45+s13+$0x0], $0xffff  }
0x63: {  	v47 =	vor.u32 $0x12, v2;
	_ =	sdelay $0x3  }
0x64: {  	[tilespmem:v46+s18+$0x0] =	vst.idx.msk $0xffff, v3  }
0x65: {  	v48 =	vor.u32 $0x12, v4;
	v3 =	vld.idx.msk [tilespmem:v47+s13+$0x0], $0xffff  }
0x66: {  	v49 =	vor.u32 $0x13, v2;
	_ =	sdelay $0x3  }
0x67: {  	[tilespmem:v48+s18+$0x0] =	vst.idx.msk $0xffff, v3  }
0x68: {  	v50 =	vor.u32 $0x13, v4;
	v3 =	vld.idx.msk [tilespmem:v49+s13+$0x0], $0xffff  }
0x69: {  	v51 =	vor.u32 $0x14, v2;
	_ =	sdelay $0x3  }
0x6a: {  	[tilespmem:v50+s18+$0x0] =	vst.idx.msk $0xffff, v3  }
0x6b: {  	v52 =	vor.u32 $0x14, v4;
	v3 =	vld.idx.msk [tilespmem:v51+s13+$0x0], $0xffff  }
0x6c: {  	v53 =	vor.u32 $0x15, v2;
	_ =	sdelay $0x3  }
0x6d: {  	[tilespmem:v52+s18+$0x0] =	vst.idx.msk $0xffff, v3  }
0x6e: {  	v54 =	vor.u32 $0x15, v4;
	v3 =	vld.idx.msk [tilespmem:v53+s13+$0x0], $0xffff  }
0x6f: {  	v55 =	vor.u32 $0x16, v2;
	_ =	sdelay $0x3  }
0x70: {  	[tilespmem:v54+s18+$0x0] =	vst.idx.msk $0xffff, v3  }
0x71: {  	v56 =	vor.u32 $0x16, v4;
	v3 =	vld.idx.msk [tilespmem:v55+s13+$0x0], $0xffff  }
0x72: {  	v57 =	vor.u32 $0x17, v2;
	_ =	sdelay $0x3  }
0x73: {  	[tilespmem:v56+s18+$0x0] =	vst.idx.msk $0xffff, v3  }
0x74: {  	v58 =	vor.u32 $0x17, v4;
	v3 =	vld.idx.msk [tilespmem:v57+s13+$0x0], $0xffff  }
0x75: {  	v59 =	vor.u32 $0x18, v2;
	_ =	sdelay $0x3  }
0x76: {  	[tilespmem:v58+s18+$0x0] =	vst.idx.msk $0xffff, v3  }
0x77: {  	v60 =	vor.u32 $0x18, v4;
	v3 =	vld.idx.msk [tilespmem:v59+s13+$0x0], $0xffff  }
0x78: {  	v61 =	vor.u32 $0x19, v2;
	_ =	sdelay $0x3  }
0x79: {  	[tilespmem:v60+s18+$0x0] =	vst.idx.msk $0xffff, v3  }
0x7a: {  	v62 =	vor.u32 $0x19, v4;
	v3 =	vld.idx.msk [tilespmem:v61+s13+$0x0], $0xffff  }
0x7b: {  	v63 =	vor.u32 $0x1A, v2;
	_ =	sdelay $0x3  }
0x7c: {  	[tilespmem:v62+s18+$0x0] =	vst.idx.msk $0xffff, v3  }
0x7d: {  	v12 =	vor.u32 $0x1A, v4;
	v3 =	vld.idx.msk [tilespmem:v63+s13+$0x0], $0xffff  }
0x7e: {  	v13 =	vor.u32 $0x1B, v2;
	_ =	sdelay $0x3  }
0x7f: {  	[tilespmem:v12+s18+$0x0] =	vst.idx.msk $0xffff, v3  }
0x80: {  	v14 =	vor.u32 $0x1B, v4;
	v3 =	vld.idx.msk [tilespmem:v13+s13+$0x0], $0xffff  }
0x81: {  	v15 =	vor.u32 $0x1C, v2;
	_ =	sdelay $0x3  }
0x82: {  	[tilespmem:v14+s18+$0x0] =	vst.idx.msk $0xffff, v3  }
0x83: {  	v16 =	vor.u32 $0x1C, v4;
	v3 =	vld.idx.msk [tilespmem:v15+s13+$0x0], $0xffff  }
0x84: {  	v17 =	vor.u32 $0x1D, v2;
	_ =	sdelay $0x3  }
0x85: {  	[tilespmem:v16+s18+$0x0] =	vst.idx.msk $0xffff, v3  }
0x86: {  	v18 =	vor.u32 $0x1D, v4;
	v3 =	vld.idx.msk [tilespmem:v17+s13+$0x0], $0xffff  }
0x87: {  	v19 =	vor.u32 $0x1E, v2;
	_ =	sdelay $0x3  }
0x88: {  	[tilespmem:v18+s18+$0x0] =	vst.idx.msk $0xffff, v3  }
0x89: {  	v20 =	vor.u32 $0x1E, v4;
	v3 =	vld.idx.msk [tilespmem:v19+s13+$0x0], $0xffff  }
0x8a: {  	v2 =	vor.u32 $0x1F, v2;
	_ =	sdelay $0x3  }
0x8b: {  	[tilespmem:v20+s18+$0x0] =	vst.idx.msk $0xffff, v3  }
0x8c: {  	v3 =	vor.u32 $0x1F, v4;
	v2 =	vld.idx.msk [tilespmem:v2+s13+$0x0], $0xffff  }
0x8d: {  	v21 =	vshll.u32 v6, $0x4;
	_ =	sdelay $0x3  }
0x8e: {  	[tilespmem:v3+s18+$0x0] =	vst.idx.msk $0xffff, v2  }
0x8f: {  	v1 =	vshll.u32 v1, $0x4;
	v2 =	vld.idx.msk [tilespmem:v21+s14+$0x0], $0xffff  }
0x90: {  	v3 =	vshll.u32 v7, $0x4;
	_ =	sdelay $0x3  }
0x91: {  	[tilespmem:v1+s19+$0x0] =	vst.idx.msk $0xffff, v2  }
0x92: {  	v2 =	vld.idx.msk [tilespmem:v3+s15+$0x0], $0xffff  }
0x93: {  	v22 =	vor.u32 $0x1, v21;
	_ =	sdelay $0x3  }
0x94: {  	[tilespmem:v1+s20+$0x0] =	vst.idx.msk $0xffff, v2  }
0x95: {  	v23 =	vor.u32 $0x1, v1;
	v2 =	vld.idx.msk [tilespmem:v22+s14+$0x0], $0xffff  }
0x96: {  	v24 =	vor.u32 $0x1, v3;
	_ =	sdelay $0x3  }
0x97: {  	[tilespmem:v23+s19+$0x0] =	vst.idx.msk $0xffff, v2  }
0x98: {  	v2 =	vld.idx.msk [tilespmem:v24+s15+$0x0], $0xffff  }
0x99: {  	v25 =	vor.u32 $0x2, v21;
	_ =	sdelay $0x3  }
0x9a: {  	[tilespmem:v23+s20+$0x0] =	vst.idx.msk $0xffff, v2  }
0x9b: {  	v26 =	vor.u32 $0x2, v1;
	v2 =	vld.idx.msk [tilespmem:v25+s14+$0x0], $0xffff  }
0x9c: {  	v27 =	vor.u32 $0x2, v3;
	_ =	sdelay $0x3  }
0x9d: {  	[tilespmem:v26+s19+$0x0] =	vst.idx.msk $0xffff, v2  }
0x9e: {  	v2 =	vld.idx.msk [tilespmem:v27+s15+$0x0], $0xffff  }
0x9f: {  	v28 =	vor.u32 $0x3, v21;
	_ =	sdelay $0x3  }
0xa0: {  	[tilespmem:v26+s20+$0x0] =	vst.idx.msk $0xffff, v2  }
0xa1: {  	v29 =	vor.u32 $0x3, v1;
	v2 =	vld.idx.msk [tilespmem:v28+s14+$0x0], $0xffff  }
0xa2: {  	v30 =	vor.u32 $0x3, v3;
	_ =	sdelay $0x3  }
0xa3: {  	[tilespmem:v29+s19+$0x0] =	vst.idx.msk $0xffff, v2  }
0xa4: {  	v2 =	vld.idx.msk [tilespmem:v30+s15+$0x0], $0xffff  }
0xa5: {  	v31 =	vor.u32 $0x4, v21;
	_ =	sdelay $0x3  }
0xa6: {  	[tilespmem:v29+s20+$0x0] =	vst.idx.msk $0xffff, v2  }
0xa7: {  	v32 =	vor.u32 $0x4, v1;
	v2 =	vld.idx.msk [tilespmem:v31+s14+$0x0], $0xffff  }
0xa8: {  	v33 =	vor.u32 $0x4, v3;
	_ =	sdelay $0x3  }
0xa9: {  	[tilespmem:v32+s19+$0x0] =	vst.idx.msk $0xffff, v2  }
0xaa: {  	v2 =	vld.idx.msk [tilespmem:v33+s15+$0x0], $0xffff  }
0xab: {  	v34 =	vor.u32 $0x5, v21;
	_ =	sdelay $0x3  }
0xac: {  	[tilespmem:v32+s20+$0x0] =	vst.idx.msk $0xffff, v2  }
0xad: {  	v35 =	vor.u32 $0x5, v1;
	v2 =	vld.idx.msk [tilespmem:v34+s14+$0x0], $0xffff  }
0xae: {  	v36 =	vor.u32 $0x5, v3;
	_ =	sdelay $0x3  }
0xaf: {  	[tilespmem:v35+s19+$0x0] =	vst.idx.msk $0xffff, v2  }
0xb0: {  	v2 =	vld.idx.msk [tilespmem:v36+s15+$0x0], $0xffff  }
0xb1: {  	v37 =	vor.u32 $0x6, v21;
	_ =	sdelay $0x3  }
0xb2: {  	[tilespmem:v35+s20+$0x0] =	vst.idx.msk $0xffff, v2  }
0xb3: {  	v38 =	vor.u32 $0x6, v1;
	v2 =	vld.idx.msk [tilespmem:v37+s14+$0x0], $0xffff  }
0xb4: {  	v39 =	vor.u32 $0x6, v3;
	_ =	sdelay $0x3  }
0xb5: {  	[tilespmem:v38+s19+$0x0] =	vst.idx.msk $0xffff, v2  }
0xb6: {  	v2 =	vld.idx.msk [tilespmem:v39+s15+$0x0], $0xffff  }
0xb7: {  	v40 =	vor.u32 $0x7, v21;
	_ =	sdelay $0x3  }
0xb8: {  	[tilespmem:v38+s20+$0x0] =	vst.idx.msk $0xffff, v2  }
0xb9: {  	v41 =	vor.u32 $0x7, v1;
	v2 =	vld.idx.msk [tilespmem:v40+s14+$0x0], $0xffff  }
0xba: {  	v42 =	vor.u32 $0x7, v3;
	_ =	sdelay $0x3  }
0xbb: {  	[tilespmem:v41+s19+$0x0] =	vst.idx.msk $0xffff, v2  }
0xbc: {  	v2 =	vld.idx.msk [tilespmem:v42+s15+$0x0], $0xffff  }
0xbd: {  	v43 =	vor.u32 $0x8, v21;
	_ =	sdelay $0x3  }
0xbe: {  	[tilespmem:v41+s20+$0x0] =	vst.idx.msk $0xffff, v2  }
0xbf: {  	v44 =	vor.u32 $0x8, v1;
	v2 =	vld.idx.msk [tilespmem:v43+s14+$0x0], $0xffff  }
0xc0: {  	v45 =	vor.u32 $0x8, v3;
	_ =	sdelay $0x3  }
0xc1: {  	[tilespmem:v44+s19+$0x0] =	vst.idx.msk $0xffff, v2  }
0xc2: {  	v2 =	vld.idx.msk [tilespmem:v45+s15+$0x0], $0xffff  }
0xc3: {  	v46 =	vor.u32 $0x9, v21;
	_ =	sdelay $0x3  }
0xc4: {  	[tilespmem:v44+s20+$0x0] =	vst.idx.msk $0xffff, v2  }
0xc5: {  	v47 =	vor.u32 $0x9, v1;
	v2 =	vld.idx.msk [tilespmem:v46+s14+$0x0], $0xffff  }
0xc6: {  	v48 =	vor.u32 $0x9, v3;
	_ =	sdelay $0x3  }
0xc7: {  	[tilespmem:v47+s19+$0x0] =	vst.idx.msk $0xffff, v2  }
0xc8: {  	v2 =	vld.idx.msk [tilespmem:v48+s15+$0x0], $0xffff  }
0xc9: {  	v49 =	vor.u32 $0xA, v21;
	_ =	sdelay $0x3  }
0xca: {  	[tilespmem:v47+s20+$0x0] =	vst.idx.msk $0xffff, v2  }
0xcb: {  	v50 =	vor.u32 $0xA, v1;
	v2 =	vld.idx.msk [tilespmem:v49+s14+$0x0], $0xffff  }
0xcc: {  	v51 =	vor.u32 $0xA, v3;
	_ =	sdelay $0x3  }
0xcd: {  	[tilespmem:v50+s19+$0x0] =	vst.idx.msk $0xffff, v2  }
0xce: {  	v2 =	vld.idx.msk [tilespmem:v51+s15+$0x0], $0xffff  }
0xcf: {  	v52 =	vor.u32 $0xB, v21;
	_ =	sdelay $0x3  }
0xd0: {  	[tilespmem:v50+s20+$0x0] =	vst.idx.msk $0xffff, v2  }
0xd1: {  	v53 =	vor.u32 $0xB, v1;
	v2 =	vld.idx.msk [tilespmem:v52+s14+$0x0], $0xffff  }
0xd2: {  	v54 =	vor.u32 $0xB, v3;
	_ =	sdelay $0x3  }
0xd3: {  	[tilespmem:v53+s19+$0x0] =	vst.idx.msk $0xffff, v2  }
0xd4: {  	v2 =	vld.idx.msk [tilespmem:v54+s15+$0x0], $0xffff  }
0xd5: {  	v55 =	vor.u32 $0xC, v21;
	_ =	sdelay $0x3  }
0xd6: {  	[tilespmem:v53+s20+$0x0] =	vst.idx.msk $0xffff, v2  }
0xd7: {  	v56 =	vor.u32 $0xC, v1;
	v2 =	vld.idx.msk [tilespmem:v55+s14+$0x0], $0xffff  }
0xd8: {  	v57 =	vor.u32 $0xC, v3;
	_ =	sdelay $0x3  }
0xd9: {  	[tilespmem:v56+s19+$0x0] =	vst.idx.msk $0xffff, v2  }
0xda: {  	v2 =	vld.idx.msk [tilespmem:v57+s15+$0x0], $0xffff  }
0xdb: {  	v58 =	vor.u32 $0xD, v21;
	_ =	sdelay $0x3  }
0xdc: {  	[tilespmem:v56+s20+$0x0] =	vst.idx.msk $0xffff, v2  }
0xdd: {  	v59 =	vor.u32 $0xD, v1;
	v2 =	vld.idx.msk [tilespmem:v58+s14+$0x0], $0xffff  }
0xde: {  	v60 =	vor.u32 $0xD, v3;
	_ =	sdelay $0x3  }
0xdf: {  	[tilespmem:v59+s19+$0x0] =	vst.idx.msk $0xffff, v2  }
0xe0: {  	v2 =	vld.idx.msk [tilespmem:v60+s15+$0x0], $0xffff  }
0xe1: {  	v61 =	vor.u32 $0xE, v21;
	_ =	sdelay $0x3  }
0xe2: {  	[tilespmem:v59+s20+$0x0] =	vst.idx.msk $0xffff, v2  }
0xe3: {  	v62 =	vor.u32 $0xE, v1;
	v2 =	vld.idx.msk [tilespmem:v61+s14+$0x0], $0xffff  }
0xe4: {  	v63 =	vor.u32 $0xE, v3;
	_ =	sdelay $0x3  }
0xe5: {  	[tilespmem:v62+s19+$0x0] =	vst.idx.msk $0xffff, v2  }
0xe6: {  	v2 =	vld.idx.msk [tilespmem:v63+s15+$0x0], $0xffff  }
0xe7: {  	v4 =	vor.u32 $0xF, v21;
	_ =	sdelay $0x3  }
0xe8: {  	[tilespmem:v62+s20+$0x0] =	vst.idx.msk $0xffff, v2  }
0xe9: {  	v1 =	vor.u32 $0xF, v1;
	v2 =	vld.idx.msk [tilespmem:v4+s14+$0x0], $0xffff  }
0xea: {  	v3 =	vor.u32 $0xF, v3;
	_ =	sdelay $0x3  }
0xeb: {  	[tilespmem:v1+s19+$0x0] =	vst.idx.msk $0xffff, v2  }
0xec: {  	p0 =	sne.s32 s30, $0x1F0;
	v2 =	vld.idx.msk [tilespmem:v3+s15+$0x0], $0xffff  }
.Ltmp0:
0xed: {  	_ = 	snop;
	(pc) =	sbr.rel @p0 .LBB2_2-.Ltmp0, $3  }
0xee: {  	_ =	sdelay $0x1  }
0xef: {  	s29 =	sadd.s32 $0x10, s29  }
0xf0: {  	s26 =	sadd.s32 $0x10, s26;
	s28 =	sadd.s32 $0x10, s28;
	s30 =	sadd.s32 $0x10, s30;
	[tilespmem:v1+s20+$0x0] =	vst.idx.msk $0xffff, v2  }
0xf1: {  	[hbm4b:s7+s21] =	stream.strided.scatter [tilespmem:s18], [sflag:$0x2], $0x4000, s22, s21, $0x38;
	[tilespmem:$0x10680] =	vst v63  }
0xf2: {  	_ = 	snop  }
0xf3: {  	[hbm4b:s10+s23] =	stream.strided.scatter [tilespmem:s19], [sflag:$0x2], $0x2000, s22, s23, $0x38;
	[tilespmem:$0x10680] =	vst v63  }
0xf4: {  	_ = 	snop  }
0xf5: {  	[hbm4b:s11+s23] =	stream.strided.scatter [tilespmem:s20], [sflag:$0x2], $0x2000, s22, s23, $0x38;
	[tilespmem:$0x10680] =	vst v63  }
0xf6: {  	_ =	swait.ge [sflag:s24], $0x4000  }
0xf7: {  	[sflag:s24] =	ssyncset.done $0x0  }
0xf8: {  	s25 =	sadd.s32 $0x1, s25;
	[sflag:s24] =	ssyncadd.s32 $0xFFFFC000  }
0xf9: {  	p0 =	sne.s32 s25, s12;
	_ =	swait.ge [sflag:s24], $0x2000  }
.Ltmp1:
0xfa: {  	[sflag:s24] =	ssyncset.done $0x0;
	(pc) =	sbr.rel @p0 .LBB2_1-.Ltmp1, $4  }
0xfb: {  	[sflag:s24] =	ssyncadd.s32 $0xFFFFE000  }
0xfc: {  	_ =	swait.ge [sflag:s24], $0x2000  }
0xfd: {  	[sflag:s24] =	ssyncset.done $0x0  }
0xfe: {  	[sflag:s24] =	ssyncadd.s32 $0xFFFFE000  }
0xff: {  	_ =	sfence.sel $0x180000  }
0x100: {  	[bflag:$0x0] =	sbarrier.arrive $0xFFFF  }
0x101: {  	p0 =	sne.s32 s1, $0x0;
	_ =	strace $0x9000004A  }
0x102: {  	s0 =	sadd.s32 @!p0 $0x100000, s0;
	[bflag:$0x2] =	sbarrier.arrive $0xFFFF  }
0x103: {  	[sflag:s0] =	ssyncadd.tile.s32 @!p0 $0x1;
	_ =	shalt  }
.Lfunc_end2:
_tile_overlayer_lowered:
.L_overlay_start_2:
0x104: {  	(tag) =	ssettag $0x2  }
0x105: {  	s0 =	rddreg [dreg:$0x0];
	s2 =	stileid.u32  }
0x106: {  	s1 =	rddreg [dreg:$0x1];
	p0 =	sne.s32 s2, $0x0  }
0x107: {  	s3 =	rddreg [dreg:$0x2];
	[bflag:$0x3] =	sbarrier.arrive $0xFFFF;
	s2 =	simm.s32 @!p0 $0x1C03  }
0x108: {  	[timem:s3], [sflag:s2] =	dma.local @!p0 [hbm:s0], s1  }
0x109: {  	s0 =	simm.s32 @!p0 $0x3  }
0x10a: {  	_ =	swait.ge @!p0 [sflag:s0], s1  }
0x10b: {  	s1 =	ssub.s32 @!p0 $0x0, s1;
	[sflag:s0] =	ssyncset.done @!p0 $0x0  }
0x10c: {  	[sflag:s0] =	ssyncadd.s32 @!p0 s1  }
0x10d: {  	[bflag:$0x3] =	sbarrier.arrive $0xFFFF  }
0x10e: {  	_ =	shalt  }

// kernel: kernel.8.cloned.1.call-start
scs
__scs_entry_jumppad:
0x0: {  	(pc) =	sbr.rel $0x88, $3  }
0x1: {  	(tag) =	ssettag $0x0;
	lr =	simm.s32 $0x1  }
0x2: {  	[smem:$0x3F94] =	sst lr;
	_ =	strace $0xD0000000  }
0x3: {  	_ = 	snop  }
0x4: {  	_ = 	snop  }
0x5: {  	_ = 	snop  }
0x6: {  	_ = 	snop  }
0x7: {  	_ = 	snop  }
__scs_overlays_trampoline_lowered:
0x8: {  	[smem:$0x3FA3] =	sst s0  }
0x9: {  	[smem:$0x3FA4] =	sst s1  }
0xa: {  	[smem:$0x3FA5] =	sst s2  }
0xb: {  	[smem:$0x3FA6] =	sst s3  }
0xc: {  	[smem:$0x3FA7] =	sst s4  }
0xd: {  	[smem:$0x3FA8] =	sst s5  }
0xe: {  	[smem:$0x3FA9] =	sst s6  }
0xf: {  	[smem:$0x3FAA] =	sst s7  }
0x10: {  	[smem:$0x3FAB] =	sst s8  }
0x11: {  	[smem:$0x3FAC] =	sst s9;
	s0 =	simm.s32 @!p0 $0x0  }
0x12: {  	s1 =	sld [smem:$0x3F92];
	s0 =	simm.s32 @p0 $0x1  }
0x13: {  	[smem:$0x3FAD] =	sst s0;
	s0 =	simm.s32 @!p1 $0x0  }
0x14: {  	s2 =	sld [smem:$0x3F91];
	s0 =	simm.s32 @p1 $0x1  }
0x15: {  	[smem:$0x3FAE] =	sst s0;
	s0 =	simm.s32 @!p2 $0x0  }
0x16: {  	s3 =	sld [smem:$0x3FDB];
	s0 =	simm.s32 @p2 $0x1  }
0x17: {  	s4 =	simm.s32 $0x1BF5;
	[smem:$0x3FB0] =	sst s0  }
0x18: {  	s0 =	sld [smem:$0x3F93];
	_ =	swait.ge [sflag:s4], $0x0  }
0x19: {  	s7 =	sld [smem:$0x3F94]  }
0x1a: {  	s8 =	sadd.s32 $0xFFFFE003, lr  }
0x1b: {  	s9 =	sadd.s32 $0xFFFFFEF7, lr;
	s5 =	simm.s32 $0xFFFFFFFF;
	p2 =	slt.u32 s8, $0xFFFFF086  }
0x1c: {  	p1 =	slt.u32 s9, $0xF7A;
	s5 =	simm.s32 @!p2 $0x0  }
0x1d: {  	s5 =	simm.s32 @p1 $0x1;
	p0 =	seq.s32 s7, s2  }
0x1e: {  	s7 =	smul.u32 @!p0 $0xF7A, s2;
	p2 =	seq.s32 @!p0 s5, $0x0  }
0x1f: {  	s9 =	smul.u32 $0xF7A, s1;
	s8 =	simm.s32 @!p0 $0x1BF5;
	p2 =	por !p2, p0  }
0x20: {  	[sflag:s8] =	ssyncset.s32 @!p0 $0xFFFFF086;
	s6 =	sadd.s32 @!p0 s3, s7;
	s7 =	simm.s32 @!p0 $0x108  }
0x21: {  	s3 =	sadd.s32 s3, s9;
	s6 =	sadd.s32 @!p0 $0x88, s6;
	s7 =	simm.s32 @p2 $0x1082  }
0x22: {  	[simem:s7], [sflag:s8] =	dma.local @!p0 [hbm:s6], $0xF7A  }
0x23: {  	s9 =	sor.u32 $0xD0000000, s2;
	s6 =	simm.s32 $0x108;
	_ =	swait.ge @!p0 [sflag:s8], $0x0  }
0x24: {  	s3 =	sadd.s32 $0x88, s3;
	s6 =	simm.s32 @!p1 $0x1082;
	[sflag:s4] =	ssyncset.s32 $0xFFFFF086  }
0x25: {  	[simem:s6], [sflag:s4] =	dma.local [hbm:s3], $0xF7A  }
0x26: {  	[smem:$0x3F94] =	sst s1;
	(tag) =	ssettag s2;
	_ =	strace s9  }
0x27: {  	s1 =	sld [smem:$0x3FA4]  }
0x28: {  	s2 =	sld [smem:$0x3FA5]  }
0x29: {  	s4 =	sld [smem:$0x3FA7]  }
0x2a: {  	p0 =	seq.s32 s5, $0x0;
	s5 =	sld [smem:$0x3FA8]  }
0x2b: {  	s6 =	sld [smem:$0x3FA9]  }
0x2c: {  	s7 =	sld [smem:$0x3FAA]  }
0x2d: {  	s3 =	simm.s32 $0x108;
	s8 =	sld [smem:$0x3FAB]  }
0x2e: {  	s3 =	simm.s32 @!p0 $0x1082;
	s9 =	sld [smem:$0x3FAC]  }
0x2f: {  	lr =	sadd.s32 s0, s3;
	s0 =	sld [smem:$0x3FA3]  }
0x30: {  	s3 =	sld [smem:$0x3FA6]  }
0x31: {  	[smem:$0x3FAF] =	sst s10  }
0x32: {  	s10 =	sld [smem:$0x3FAD];
	_ =	sdelay $0x3  }
0x33: {  	p0 =	seq.s32 s10, $0x1;
	s10 =	sld [smem:$0x3FAF];
	_ =	sdelay $0x3  }
0x34: {  	[smem:$0x3FAF] =	sst s10  }
0x35: {  	s10 =	sld [smem:$0x3FAE];
	_ =	sdelay $0x3  }
0x36: {  	p1 =	seq.s32 s10, $0x1;
	s10 =	sld [smem:$0x3FAF];
	_ =	sdelay $0x3  }
0x37: {  	[smem:$0x3FAF] =	sst s10  }
0x38: {  	s10 =	sld [smem:$0x3FB0]  }
0x39: {  	_ = 	snop;
	(pc) =	sbr.ind lr, $3  }
0x3a: {  	_ = 	snop  }
0x3b: {  	_ = 	snop  }
0x3c: {  	p2 =	seq.s32 s10, $0x1;
	s10 =	sld [smem:$0x3FAF]  }
0x3d: {  	_ =	shalt  }
0x3e: {  	_ =	shalt  }
0x3f: {  	_ =	shalt  }
0x40: {  	_ =	shalt  }
0x41: {  	_ =	shalt  }
0x42: {  	_ =	shalt  }
0x43: {  	_ =	shalt  }
0x44: {  	_ =	shalt  }
0x45: {  	_ =	shalt  }
0x46: {  	_ =	shalt  }
0x47: {  	_ =	shalt  }
0x48: {  	_ =	shalt  }
0x49: {  	_ =	shalt  }
0x4a: {  	_ =	shalt  }
0x4b: {  	_ =	shalt  }
0x4c: {  	_ =	shalt  }
0x4d: {  	_ =	shalt  }
0x4e: {  	_ =	shalt  }
0x4f: {  	_ =	shalt  }
0x50: {  	_ =	shalt  }
0x51: {  	_ =	shalt  }
0x52: {  	_ =	shalt  }
0x53: {  	_ =	shalt  }
0x54: {  	_ =	shalt  }
0x55: {  	_ =	shalt  }
0x56: {  	_ =	shalt  }
0x57: {  	_ =	shalt  }
0x58: {  	_ =	shalt  }
0x59: {  	_ =	shalt  }
0x5a: {  	_ =	shalt  }
0x5b: {  	_ =	shalt  }
0x5c: {  	_ =	shalt  }
0x5d: {  	_ =	shalt  }
0x5e: {  	_ =	shalt  }
0x5f: {  	_ =	shalt  }
0x60: {  	_ =	shalt  }
0x61: {  	_ =	shalt  }
0x62: {  	_ =	shalt  }
0x63: {  	_ =	shalt  }
0x64: {  	_ =	shalt  }
0x65: {  	_ =	shalt  }
0x66: {  	_ =	shalt  }
0x67: {  	_ =	shalt  }
0x68: {  	_ =	shalt  }
0x69: {  	_ =	shalt  }
0x6a: {  	_ =	shalt  }
0x6b: {  	_ =	shalt  }
0x6c: {  	_ =	shalt  }
0x6d: {  	_ =	shalt  }
0x6e: {  	_ =	shalt  }
0x6f: {  	_ =	shalt  }
0x70: {  	_ =	shalt  }
0x71: {  	_ =	shalt  }
0x72: {  	_ =	shalt  }
0x73: {  	_ =	shalt  }
0x74: {  	_ =	shalt  }
0x75: {  	_ =	shalt  }
0x76: {  	_ =	shalt  }
0x77: {  	_ =	shalt  }
0x78: {  	_ =	shalt  }
0x79: {  	_ =	shalt  }
0x7a: {  	_ =	shalt  }
0x7b: {  	_ =	shalt  }
0x7c: {  	_ =	shalt  }
0x7d: {  	_ =	shalt  }
0x7e: {  	_ =	shalt  }
0x7f: {  	_ =	shalt  }
0x80: {  	_ =	shalt  }
0x81: {  	_ =	shalt  }
0x82: {  	_ =	shalt  }
0x83: {  	_ =	shalt  }
0x84: {  	_ =	shalt  }
0x85: {  	_ =	shalt  }
0x86: {  	_ =	shalt  }
0x87: {  	_ =	shalt  }
.Lfunc_end0:
.L_simem_size_0:
called_computation.1_lowered:
.L_overlay_start_0:
0x88: {  	s2 =	sld [smem:$0x3FD9]  }
0x89: {  	s3 =	sld [smem:$0x3FFE];
	_ =	sdelay $0x1  }
0x8a: {  	s1 =	srdreg.scid  }
0x8b: {  	s0 =	sand.u32 $0x1, s1  }
0x8c: {  	s16 =	sshll.u32 s0, $0xA;
	s2 =	sadd.s32 s3, s2  }
0x8d: {  	s2 =	sadd.s32 s2, s16  }
0x8e: {  	[smem:$0x3FBB] =	sst s2  }
0x8f: {  	_ = 	snop  }
0x90: {  	(tm) =	ssettm $0x1  }
0x91: {  	s17 =	sld [smem:$0x3FFB];
	_ =	sdelay $0x3  }
0x92: {  	_ =	strace s17  }
0x93: {  	s2 =	sld [smem:$0x3FFC];
	_ =	sdelay $0x3  }
0x94: {  	_ =	strace s2  }
0x95: {  	s2 =	sld [smem:$0x3FFD];
	_ =	sdelay $0x3  }
0x96: {  	_ =	strace s2  }
0x97: {  	_ =	strace $0x8FFFFFFF  }
0x98: {  	s18 =	sld [smem:$0x3FDB];
	_ =	sdelay $0x1  }
0x99: {  	s19 =	simm.s32 $_scs_section_size  }
0x9a: {  	s4 =	simm.s32 $_size__tile_overlayer_lowered;
	s5 =	simm.s32 $_tile_overlayer_lowered  }
0x9b: {  	s22 =	simm.s32 $0x1BFF;
	s21 =	sshll.u32 s5, $0x1;
	s2 =	sadd.s32 s19, s18  }
0x9c: {  	s6 =	simm.s32 $0x0;
	s20 =	sshll.u32 s4, $0x1;
	s4 =	sadd.s32 s21, s2  }
0x9d: {  	[timem:s6], [sflag:s22] =	dma.local [hbm:s4], s20  }
0x9e: {  	_ =	swait.ge [sflag:s22], s20  }
0x9f: {  	s3 =	ssub.s32 $0x0, s20;
	[sflag:s22] =	ssyncset.done $0x0  }
0xa0: {  	[sflag:s22] =	ssyncadd.s32 s3;
	_ =	sdelay $0x1  }
0xa1: {  	s23 =	simm.s32 $0x1B8B  }
0xa2: {  	_ =	swait.ge [sflag:s23], $0x1  }
0xa3: {  	[sflag:s23] =	ssyncset.done $0x0  }
0xa4: {  	s25 =	simm.s32 $0x1B8E;
	s24 =	sld [smem:$0x3FFE];
	[sflag:s23] =	ssyncadd.s32 $0xFFFFFFFF  }
0xa5: {  	s26 =	simm.s32 $execute0_lowered;
	[smem:$0x3FD2] =	sst s25  }
0xa6: {  	s4 =	sshll.u32 s26, $0x1;
	_ =	strace $0x80000046;
	[dreg:$0x1] =	wrdreg $0xFFFFFFFF  }
0xa7: {  	s28 =	simm.s32 $_size_execute0_lowered;
	s2 =	sadd.s32 s2, s4;
	[dreg:$0x0] =	wrdreg $0x0  }
0xa8: {  	s4 =	sshll.u32 s28, $0x1;
	[dreg:$0x2] =	wrdreg s2  }
0xa9: {  	[dreg:$0x3] =	wrdreg s4  }
0xaa: {  	[dreg:$0x4] =	wrdreg $0xC0  }
0xab: {  	_ =	task [dreg:s6], $0x5FFFF  }
0xac: {  	[dreg:$0x1] =	wrdreg $0xFFFFFFFF  }
0xad: {  	[dreg:$0x0] =	wrdreg $0x60  }
0xae: {  	[dreg:$0x2] =	wrdreg s24  }
0xaf: {  	[dreg:$0x3] =	wrdreg $0xA  }
0xb0: {  	_ =	task.clear_ibuf [dreg:s6], $0x4FFFF;
	_ =	strace $0x90000046  }
0xb1: {  	s29 =	simm.s32 $0xA;
	_ =	strace $0x80000048  }
0xb2: {  	_ =	swait.ge [sflag:s29], $0x1  }
0xb3: {  	[sflag:s29] =	ssyncadd.s32 $0xFFFFFFFF  }
0xb4: {  	_ =	strace $0x90000048  }
0xb5: {  	_ =	sfence  }
0xb6: {  	s30 =	sld [smem:$0x0];
	_ =	sdelay $0x2  }
0xb7: {  	s31 =	sshll.u32 s1, $0xD;
	s1 =	sshrl.u32 s1, $0x2  }
0xb8: {  	s3 =	sand.u32 $0x4000, s31;
	s1 =	sadd.s32 s1, s30  }
0xb9: {  	s0 =	sor.u32 s3, s0;
	s1 =	sshll.u32 s1, $0x11  }
0xba: {  	s0 =	sor.u32 s1, s0  }
0xbb: {  	s0 =	sadd.s32 $0x8F2B, s0  }
0xbc: {  	[sflag:s0] =	ssyncadd.remote.s32 $0x1  }
0xbd: {  	_ =	sfence.sel $0xFFFF  }
0xbe: {  	[dreg:$0x0] =	wrdreg $0xFFFFFFFF;
	(pc) =	sbr.abs _section_cstart, $3  }
0xbf: {  	[dreg:$0x1] =	wrdreg $0xFFFFFFFF  }
0xc0: {  	_ =	task.clear_ibuf [dreg:s6], $0x2FFFF;
	_ =	strace $0x9FFFFFFF  }
0xc1: {  	(tm) =	ssettm $0x7FFFFFFF  }
tec
execute0_lowered:
.L_overlay_start_1:
0x0: {  	(tag) =	ssettag $0x1  }
0x1: {  	s1 =	srdreg.scid  }
0x2: {  	s0 =	stileid.u32;
	s14 =	sand.u32 $0x1, s1  }
0x3: {  	s30 =	sshll.u32 s0, $0xA;
	s2 =	sshll.u32 s14, $0x9  }
0x4: {  	s16 =	sor.u32 s2, s30  }
0x5: {  	s15 =	rddreg [dreg:$0x0];
	s2 =	simm.s32 $0x0;
	s3 =	sshrl.u32 s16, $0x3  }
0x6: {  	s4 =	simm.s32 $0x3;
	[smem:$0x7FF] =	sst s2;
	s3 =	sadd.s32 s3, s15  }
0x7: {  	s1 =	rddreg [dreg:$0x1];
	_ =	strace $0x80000047;
	s3 =	sadd.s32 $0x3200, s3  }
0x8: {  	[tilespmem:s2], [sflag:$0x3] =	stream.linear.gather [hbm4b:s3+s2], $0x200, $0x38;
	[tilespmem:$0x8200] =	vst v63  }
0x9: {  	_ =	swait.ge [sflag:s4], $0x200  }
0xa: {  	s6 =	simm.s32 $0x80;
	[sflag:s4] =	ssyncset.done $0x0  }
0xb: {  	s7 =	simm.s32 $0x200;
	s5 =	sadd.s32 $0x189C00, s15;
	[sflag:s4] =	ssyncadd.s32 $0xFFFFFE00  }
0xc: {  	[tilespmem:s7], [sflag:$0x1] =	stream.indirect.gather [hbm4b:s5+s6], $0x40, s2, s6, $0xb8;
	[tilespmem:$0x8200] =	vst v63  }
0xd: {  	s8 =	simm.s32 $0x2200  }
0xe: {  	[tilespmem:s8], [sflag:$0x1] =	stream.indirect.gather [hbm4b:s5+s6], $0x40, s6, s6, $0xb8;
	[tilespmem:$0x8200] =	vst v63  }
0xf: {  	s9 =	simm.s32 $0x100;
	s10 =	simm.s32 $0x4200  }
0x10: {  	[tilespmem:s10], [sflag:$0x1] =	stream.indirect.gather [hbm4b:s5+s6], $0x40, s9, s6, $0xb8;
	[tilespmem:$0x8200] =	vst v63  }
0x11: {  	s11 =	simm.s32 $0x180;
	s12 =	simm.s32 $0x6200;
	s13 =	simm.s32 $0x1  }
0x12: {  	[tilespmem:s12], [sflag:$0x1] =	stream.indirect.gather [hbm4b:s5+s6], $0x40, s11, s6, $0xb8;
	[tilespmem:$0x8200] =	vst v63  }
0x13: {  	_ =	swait.ge [sflag:s13], $0x2000  }
0x14: {  	[sflag:s13] =	ssyncset.done $0x0  }
0x15: {  	[sflag:s13] =	ssyncadd.s32 $0xFFFFE000  }
0x16: {  	_ =	swait.ge [sflag:s13], $0x2000  }
0x17: {  	[sflag:s13] =	ssyncset.done $0x0  }
0x18: {  	s14 =	ssub.s32 $0x2, s14;
	[sflag:s13] =	ssyncadd.s32 $0xFFFFE000  }
0x19: {  	s17 =	sshrl.u32 s14, $0x1;
	_ =	swait.ge [sflag:s13], $0x2000  }
0x1a: {  	s31 =	ssub.s32 s14, s17;
	[sflag:s13] =	ssyncset.done $0x0  }
0x1b: {  	s16 =	sshll.u32 s16, $0x4;
	s17 =	smax.u32 s31, $0x1;
	[sflag:s13] =	ssyncadd.s32 $0xFFFFE000  }
0x1c: {  	s15 =	sadd.s32 s16, s15;
	p0 =	sne.s32 s17, $0x1;
	_ =	swait.ge [sflag:s13], $0x2000  }
.Ltmp0:
0x1d: {  	s16 =	simm.s32 $0x40;
	[sflag:s13] =	ssyncset.done $0x0;
	(pc) =	sbr.rel @!p0 .LBB2_2-.Ltmp0, $4  }
0x1e: {  	s14 =	sadd.s32 $0x5200, s15;
	s15 =	simm.s32 $0x2;
	[sflag:s13] =	ssyncadd.s32 $0xFFFFE000  }
0x1f: {  	[hbm4b:s14+s16] =	stream.strided.scatter [tilespmem:s7], [sflag:$0x2], $0x8000, s6, s16, $0x38;
	[tilespmem:$0x8200] =	vst v63  }
0x20: {  	_ =	swait.ge [sflag:s15], $0x8000  }
0x21: {  	s17 =	sadd.s32 $0xFFFFFFFF, s17;
	[sflag:s15] =	ssyncset.done $0x0  }
.LBB2_1:
0x22: {  	p0 =	sne.s32 s17, $0x1;
	s17 =	sadd.s32 $0xFFFFFFFF, s17;
	[sflag:s15] =	ssyncadd.s32 $0xFFFF8000  }
0x23: {  	[tilespmem:s2], [sflag:$0x3] =	stream.linear.gather [hbm4b:s3+s2], $0x200, $0x38;
	[tilespmem:$0x8200] =	vst v63  }
0x24: {  	_ =	swait.ge [sflag:s4], $0x200  }
0x25: {  	[sflag:s4] =	ssyncset.done $0x0  }
0x26: {  	[sflag:s4] =	ssyncadd.s32 $0xFFFFFE00  }
0x27: {  	[tilespmem:s7], [sflag:$0x1] =	stream.indirect.gather [hbm4b:s5+s6], $0x40, s2, s6, $0xb8;
	[tilespmem:$0x8200] =	vst v63  }
0x28: {  	_ = 	snop  }
0x29: {  	[tilespmem:s8], [sflag:$0x1] =	stream.indirect.gather [hbm4b:s5+s6], $0x40, s6, s6, $0xb8;
	[tilespmem:$0x8200] =	vst v63  }
0x2a: {  	_ = 	snop  }
0x2b: {  	[tilespmem:s10], [sflag:$0x1] =	stream.indirect.gather [hbm4b:s5+s6], $0x40, s9, s6, $0xb8;
	[tilespmem:$0x8200] =	vst v63  }
0x2c: {  	_ = 	snop  }
0x2d: {  	[tilespmem:s12], [sflag:$0x1] =	stream.indirect.gather [hbm4b:s5+s6], $0x40, s11, s6, $0xb8;
	[tilespmem:$0x8200] =	vst v63  }
0x2e: {  	_ =	swait.ge [sflag:s13], $0x2000  }
0x2f: {  	[sflag:s13] =	ssyncset.done $0x0  }
0x30: {  	[sflag:s13] =	ssyncadd.s32 $0xFFFFE000  }
0x31: {  	_ =	swait.ge [sflag:s13], $0x2000  }
0x32: {  	[sflag:s13] =	ssyncset.done $0x0  }
0x33: {  	[sflag:s13] =	ssyncadd.s32 $0xFFFFE000  }
0x34: {  	_ =	swait.ge [sflag:s13], $0x2000  }
0x35: {  	[sflag:s13] =	ssyncset.done $0x0  }
0x36: {  	[sflag:s13] =	ssyncadd.s32 $0xFFFFE000  }
0x37: {  	_ =	swait.ge [sflag:s13], $0x2000  }
.Ltmp1:
0x38: {  	[sflag:s13] =	ssyncset.done $0x0;
	(pc) =	sbr.rel @p0 .LBB2_1-.Ltmp1, $4  }
0x39: {  	[sflag:s13] =	ssyncadd.s32 $0xFFFFE000  }
0x3a: {  	[hbm4b:s14+s16] =	stream.strided.scatter [tilespmem:s7], [sflag:$0x2], $0x8000, s6, s16, $0x38;
	[tilespmem:$0x8200] =	vst v63  }
0x3b: {  	_ =	swait.ge [sflag:s15], $0x8000  }
0x3c: {  	[sflag:s15] =	ssyncset.done $0x0  }
.LBB2_2:
0x3d: {  	[sflag:s15] =	ssyncadd.s32 $0xFFFF8000  }
0x3e: {  	_ =	sfence.sel $0x180000  }
0x3f: {  	[bflag:$0x0] =	sbarrier.arrive $0xFFFF  }
0x40: {  	p0 =	sne.s32 s0, $0x0;
	_ =	strace $0x90000047  }
0x41: {  	s0 =	sadd.s32 @!p0 $0x100000, s1;
	[bflag:$0x2] =	sbarrier.arrive $0xFFFF  }
0x42: {  	[sflag:s0] =	ssyncadd.tile.s32 @!p0 $0x1;
	_ =	shalt  }
.Lfunc_end2:
_tile_overlayer_lowered:
.L_overlay_start_2:
0x43: {  	(tag) =	ssettag $0x2  }
0x44: {  	s0 =	rddreg [dreg:$0x0];
	s2 =	stileid.u32  }
0x45: {  	s1 =	rddreg [dreg:$0x1];
	p0 =	sne.s32 s2, $0x0  }
0x46: {  	s3 =	rddreg [dreg:$0x2];
	[bflag:$0x3] =	sbarrier.arrive $0xFFFF;
	s2 =	simm.s32 @!p0 $0x1C03  }
0x47: {  	[timem:s3], [sflag:s2] =	dma.local @!p0 [hbm:s0], s1  }
0x48: {  	s0 =	simm.s32 @!p0 $0x3  }
0x49: {  	_ =	swait.ge @!p0 [sflag:s0], s1  }
0x4a: {  	s1 =	ssub.s32 @!p0 $0x0, s1;
	[sflag:s0] =	ssyncset.done @!p0 $0x0  }
0x4b: {  	[sflag:s0] =	ssyncadd.s32 @!p0 s1  }
0x4c: {  	[bflag:$0x3] =	sbarrier.arrive $0xFFFF  }
0x4d: {  	_ =	shalt  }

</sc_bundles>
